<compile_context>
chip_gen: v7x
topology: tpu7x:2x2x1
jax: 0.10.2.dev20260603
libtpu: 0.0.44.dev20260713+nightly
codegen_flags: <defaults>
</compile_context>

<pallas_src>
import functools

import jax
import jax.numpy as jnp
from jax import lax
from jax.experimental import pallas as pl
from jax.experimental.pallas import tpu as pltpu
from jax.experimental.pallas import tpu_sc as plsc

B = 4096
T = 200
D = 32
N_LOOKUPS = B * T
N_ELEMS = N_LOOKUPS * D

_NW = 32
_PER_W = N_LOOKUPS // _NW
_IDX_ROWS = _PER_W // 128
_CHUNK = 1280
_NCH = _PER_W // _CHUNK
_GPC = _CHUNK // 128


@functools.lru_cache(maxsize=1)
def _sc_gather_build():
    mesh = plsc.VectorSubcoreMesh(core_axis_name="c", subcore_axis_name="s")

    @functools.partial(
        pl.kernel,
        mesh=mesh,
        compiler_params=pltpu.CompilerParams(use_tc_tiling_on_sc=False),
        out_type=jax.ShapeDtypeStruct((N_LOOKUPS, D), jnp.float32),
        scratch_types=[
            pltpu.VMEM((_IDX_ROWS, 128), jnp.int32),
            pltpu.VMEM((2, _CHUNK, D), jnp.float32),
            pltpu.SemaphoreType.DMA,
            pltpu.SemaphoreType.DMA,
        ],
    )
    def k(table_hbm, ids_hbm, out_hbm, idx_v, rows_v, gsem, wsem):
        wid = lax.axis_index("s") * 2 + lax.axis_index("c")
        pltpu.sync_copy(ids_hbm.at[pl.ds(wid * _IDX_ROWS, _IDX_ROWS)], idx_v)

        def fire(cc, buf):
            handles = []
            for j in range(_GPC):
                handles.append(pltpu.async_copy(
                    table_hbm.at[idx_v.at[cc * _GPC + j]],
                    rows_v.at[buf].at[pl.ds(j * 128, 128)],
                    gsem,
                ))
            return handles

        def drain_and_write(cc, buf, handles):
            for h in handles:
                h.wait()
            return pltpu.async_copy(
                rows_v.at[buf],
                out_hbm.at[pl.ds(wid * _PER_W + cc * _CHUNK, _CHUNK)],
                wsem,
            )

        def pair_body(g, carry):
            ha = fire(2 * g, 0)
            hb = fire(2 * g + 1, 1)
            wa = drain_and_write(2 * g, 0, ha)
            wb = drain_and_write(2 * g + 1, 1, hb)
            wa.wait()
            wb.wait()
            return carry

        lax.fori_loop(0, _NCH // 2, pair_body, 0)

    return k


_TB = 8

_KS0 = 0
_KS1 = 1234
_KS2 = _KS0 ^ _KS1 ^ 0x1BD11BDA
_ROT = ((13, 15, 26, 6), (17, 29, 16, 24))
_MAG = 5.0 / 80.0


def _threefry_bits(x1):
    ks = (jnp.uint32(_KS0), jnp.uint32(_KS1), jnp.uint32(_KS2))
    x0 = jnp.zeros_like(x1) + ks[0]
    x1 = x1 + ks[1]
    for i in range(5):
        for r in _ROT[i % 2]:
            x0 = x0 + x1
            x1 = (x1 << jnp.uint32(r)) | (x1 >> jnp.uint32(32 - r))
            x1 = x0 ^ x1
        x0 = x0 + ks[(i + 1) % 3]
        x1 = x1 + ks[(i + 2) % 3] + jnp.uint32(i + 1)
    return x0 ^ x1


def _noise_add_body(emb_ref, out_ref):
    i = pl.program_id(0)
    t = lax.broadcasted_iota(jnp.int32, (_TB, D, B), 0) + i * _TB
    d = lax.broadcasted_iota(jnp.int32, (_TB, D, B), 1)
    b = lax.broadcasted_iota(jnp.int32, (_TB, D, B), 2)
    f = (b * (T * D) + t * D + d).astype(jnp.uint32)
    bits = _threefry_bits(f)
    fb = (bits >> jnp.uint32(9)) | jnp.uint32(0x3F800000)
    u = lax.bitcast_convert_type(fb, jnp.float32) - jnp.float32(1.0)
    u = jnp.maximum(jnp.float32(-1.0),
                    u * jnp.float32(2.0) - jnp.float32(1.0))
    out_ref[...] = emb_ref[...] + u * jnp.float32(_MAG)


_noise_add = pl.pallas_call(
    _noise_add_body,
    grid=(T // _TB,),
    in_specs=[pl.BlockSpec((_TB, D, B), lambda i: (i, 0, 0))],
    out_specs=pl.BlockSpec((_TB, D, B), lambda i: (i, 0, 0)),
    out_shape=jax.ShapeDtypeStruct((T, D, B), jnp.float32),
)


def kernel(input_ids, table):
    ids2d = input_ids.reshape(N_LOOKUPS // 128, 128)
    embeds = _sc_gather_build()(table, ids2d)
    e3 = embeds.reshape(B, T, D).transpose(1, 2, 0)
    out_phys = _noise_add(e3)
    return out_phys.transpose(2, 0, 1)

# --- scband reference (transcript-rebuilt; emitter-appended) ---
"""Pipeline reference for scband-neftune-65068754535029 (READ-ONLY COPY).

The authoritative reference and input builder live on the scoring server;
editing this copy changes nothing except your own understanding.
"""

import jax, jax.numpy as jnp
import numpy as np

NOISE_ALPHA = 5.0
VOCAB = 1000000
EMBED_DIM = 32
B = 4096
T = 200


def setup_inputs(seed: int = 0) -> dict:
    key = jax.random.key(seed)
    k_idx, k_tab = jax.random.split(key)
    input_ids = jax.random.randint(k_idx, (B, T), 0, VOCAB, dtype=jnp.int32)
    # learned parameter: embedding table, sized per init_kwargs
    table = jax.random.normal(k_tab, (VOCAB, EMBED_DIM), dtype=jnp.float32) * 0.02
    return {"input_ids": input_ids, "table": table}


def reference(input_ids, table):
    # embedding lookup (gather) -> maps to SparseCore
    embeds = jnp.take(table, input_ids, axis=0)  # (B, T, D)
    # NEFTune training-mode noise: uniform(-1, 1) * alpha / sqrt(T * D)
    dims = jnp.asarray(embeds.shape[1] * embeds.shape[2], dtype=embeds.dtype)
    mag = NOISE_ALPHA / jnp.sqrt(dims)
    noise = jax.random.uniform(jax.random.key(1234), embeds.shape, minval=-1.0, maxval=1.0, dtype=embeds.dtype) * mag
    return embeds + noise

if __name__ == "__main__":
    import jax
    _d = setup_inputs()
    print(jax.jit(kernel)(*tuple(_d.values())))

</pallas_src>

<mosaic_0001>
#map = affine_map<(d0, d1) -> (0, 0)>
module attributes {stable_mosaic.version = 14 : i64} {
  func.func @k(%arg0: i32, %arg1: i32, %arg2: memref<1000000x32xf32, #tpu.memory_space<hbm>>, %arg3: memref<6400x128xi32, #tpu.memory_space<hbm>>, %arg4: memref<819200x32xf32, #tpu.memory_space<hbm>>, %arg5: memref<200x128xi32, #tpu.memory_space<vmem>>, %arg6: memref<2x1280x32xf32, #tpu.memory_space<vmem>>, %arg7: memref<!tpu.dma_semaphore, #tpu.memory_space<semaphore_mem>>, %arg8: memref<!tpu.dma_semaphore, #tpu.memory_space<semaphore_mem>>) attributes {dimension_semantics = [#tpu.dimension_semantics<core_parallel>, #tpu.dimension_semantics<subcore_parallel>], iteration_bounds = array<i64: 2, 16>, scalar_prefetch = 0 : i64, scratch_operands = 4 : i64, tpu.core_type = #tpu.core_type<sc_vector_subcore>, window_params = [{transform_indices = #map}, {transform_indices = #map}, {transform_indices = #map}]} {
    %mul3A = arith.constant 2 : i32
    %mul3A_0 = arith.muli %arg1, %mul3A : i32
    %add3A = arith.addi %mul3A_0, %arg0 : i32
    %mul3A_1 = arith.constant 200 : i32
    %mul3A_2 = arith.muli %add3A, %mul3A_1 : i32
    "tpu.region"() ({
      %run_scoped3A = tpu.sem_alloc : memref<!tpu.dma_semaphore, #tpu.memory_space<semaphore_mem>>
      %dma_start3A = arith.constant 0 : i32
      %dma_start3A_8 = tpu.memref_slice %arg3[%mul3A_2, %dma_start3A] : memref<6400x128xi32, #tpu.memory_space<hbm>> -> memref<200x128xi32, #tpu.memory_space<hbm>>
      %dma_start3A_9 = arith.constant 0 : i32
      %dma_start3A_10 = tpu.memref_slice %arg3[%mul3A_2, %dma_start3A_9] : memref<6400x128xi32, #tpu.memory_space<hbm>> -> memref<200x128xi32, #tpu.memory_space<hbm>>
      tpu.enqueue_dma source(%dma_start3A_10 : memref<200x128xi32, #tpu.memory_space<hbm>>) target(%arg5 : memref<200x128xi32, #tpu.memory_space<vmem>>) target_semaphore(%run_scoped3A : memref<!tpu.dma_semaphore, #tpu.memory_space<semaphore_mem>>)
      %dma_wait3A = arith.constant 0 : i32
      %dma_wait3A_11 = tpu.memref_slice %arg3[%mul3A_2, %dma_wait3A] : memref<6400x128xi32, #tpu.memory_space<hbm>> -> memref<200x128xi32, #tpu.memory_space<hbm>>
      %dma_wait3A_12 = arith.constant 0 : i32
      %dma_wait3A_13 = tpu.memref_slice %arg3[%mul3A_2, %dma_wait3A_12] : memref<6400x128xi32, #tpu.memory_space<hbm>> -> memref<200x128xi32, #tpu.memory_space<hbm>>
      tpu.wait_dma2 semaphore(%run_scoped3A : memref<!tpu.dma_semaphore, #tpu.memory_space<semaphore_mem>>) src(%dma_wait3A_13 : memref<200x128xi32, #tpu.memory_space<hbm>>) dst(%arg5 : memref<200x128xi32, #tpu.memory_space<vmem>>)
      tpu.yield
    }) : () -> ()
    %scan3A = arith.constant 0 : i32
    %scan3A_3 = arith.constant 0 : i32
    %scan3A_4 = arith.constant 10 : i32
    %scan3A_5 = arith.addi %scan3A_3, %scan3A_4 : i32
    %scan3A_6 = arith.constant 1 : i32
    scf.for %scan3A_8 = %scan3A_3 to %scan3A_5 step %scan3A_6  : i32 {
      %mul3A_9 = arith.constant 2 : i32
      %mul3A_10 = arith.muli %mul3A_9, %scan3A_8 : i32
      %mul3A_11 = arith.constant 10 : i32
      %mul3A_12 = arith.muli %mul3A_10, %mul3A_11 : i32
      %add3A_13 = arith.constant 0 : i32
      %add3A_14 = arith.addi %mul3A_12, %add3A_13 : i32
      %dma_start3A = arith.constant 0 : i32
      %dma_start3A_15 = arith.constant 0 : i32
      %dma_start3A_16 = arith.constant 0 : i32
      %dma_start3A_17 = tpu.memref_slice %arg6[%dma_start3A, %dma_start3A_15, %dma_start3A_16] : memref<2x1280x32xf32, #tpu.memory_space<vmem>> -> memref<1x1280x32xf32, #tpu.memory_space<vmem>>
      %dma_start3A_18 = tpu.memref_squeeze %dma_start3A_17 : memref<1x1280x32xf32, #tpu.memory_space<vmem>> -> memref<1280x32xf32, #tpu.memory_space<vmem>>
      %dma_start3A_19 = arith.constant 0 : i32
      %dma_start3A_20 = arith.constant 0 : i32
      %dma_start3A_21 = tpu.memref_slice %dma_start3A_18[%dma_start3A_19, %dma_start3A_20] : memref<1280x32xf32, #tpu.memory_space<vmem>> -> memref<128x32xf32, #tpu.memory_space<vmem>>
      %dma_start3A_22 = arith.constant 0 : i32
      %dma_start3A_23 = tpu.memref_slice %arg5[%add3A_14, %dma_start3A_22] : memref<200x128xi32, #tpu.memory_space<vmem>> -> memref<1x128xi32, #tpu.memory_space<vmem>>
      %dma_start3A_24 = tpu.memref_squeeze %dma_start3A_23 : memref<1x128xi32, #tpu.memory_space<vmem>> -> memref<128xi32, #tpu.memory_space<vmem>>
      %dma_start3A_25 = arith.constant 0 : i32
      %dma_start3A_26 = arith.constant 0 : i32
      %dma_start3A_27 = tpu.memref_slice %arg2[%dma_start3A_25, %dma_start3A_26] : memref<1000000x32xf32, #tpu.memory_space<hbm>> -> memref<1000000x32xf32, #tpu.memory_space<hbm>>
      tpu.enqueue_indirect_dma source(%dma_start3A_27 : memref<1000000x32xf32, #tpu.memory_space<hbm>>) target(%dma_start3A_21 : memref<128x32xf32, #tpu.memory_space<vmem>>) offsets(%dma_start3A_24 : memref<128xi32, #tpu.memory_space<vmem>>) semaphore(%arg7 : memref<!tpu.dma_semaphore, #tpu.memory_space<semaphore_mem>>)
      %mul3A_28 = arith.constant 10 : i32
      %mul3A_29 = arith.muli %mul3A_10, %mul3A_28 : i32
      %add3A_30 = arith.constant 1 : i32
      %add3A_31 = arith.addi %mul3A_29, %add3A_30 : i32
      %dma_start3A_32 = arith.constant 0 : i32
      %dma_start3A_33 = arith.constant 0 : i32
      %dma_start3A_34 = arith.constant 0 : i32
      %dma_start3A_35 = tpu.memref_slice %arg6[%dma_start3A_32, %dma_start3A_33, %dma_start3A_34] : memref<2x1280x32xf32, #tpu.memory_space<vmem>> -> memref<1x1280x32xf32, #tpu.memory_space<vmem>>
      %dma_start3A_36 = tpu.memref_squeeze %dma_start3A_35 : memref<1x1280x32xf32, #tpu.memory_space<vmem>> -> memref<1280x32xf32, #tpu.memory_space<vmem>>
      %dma_start3A_37 = arith.constant 128 : i32
      %dma_start3A_38 = arith.constant 0 : i32
      %dma_start3A_39 = tpu.memref_slice %dma_start3A_36[%dma_start3A_37, %dma_start3A_38] : memref<1280x32xf32, #tpu.memory_space<vmem>> -> memref<128x32xf32, #tpu.memory_space<vmem>>
      %dma_start3A_40 = arith.constant 0 : i32
      %dma_start3A_41 = tpu.memref_slice %arg5[%add3A_31, %dma_start3A_40] : memref<200x128xi32, #tpu.memory_space<vmem>> -> memref<1x128xi32, #tpu.memory_space<vmem>>
      %dma_start3A_42 = tpu.memref_squeeze %dma_start3A_41 : memref<1x128xi32, #tpu.memory_space<vmem>> -> memref<128xi32, #tpu.memory_space<vmem>>
      %dma_start3A_43 = arith.constant 0 : i32
      %dma_start3A_44 = arith.constant 0 : i32
      %dma_start3A_45 = tpu.memref_slice %arg2[%dma_start3A_43, %dma_start3A_44] : memref<1000000x32xf32, #tpu.memory_space<hbm>> -> memref<1000000x32xf32, #tpu.memory_space<hbm>>
      tpu.enqueue_indirect_dma source(%dma_start3A_45 : memref<1000000x32xf32, #tpu.memory_space<hbm>>) target(%dma_start3A_39 : memref<128x32xf32, #tpu.memory_space<vmem>>) offsets(%dma_start3A_42 : memref<128xi32, #tpu.memory_space<vmem>>) semaphore(%arg7 : memref<!tpu.dma_semaphore, #tpu.memory_space<semaphore_mem>>)
      %mul3A_46 = arith.constant 10 : i32
      %mul3A_47 = arith.muli %mul3A_10, %mul3A_46 : i32
      %add3A_48 = arith.constant 2 : i32
      %add3A_49 = arith.addi %mul3A_47, %add3A_48 : i32
      %dma_start3A_50 = arith.constant 0 : i32
      %dma_start3A_51 = arith.constant 0 : i32
      %dma_start3A_52 = arith.constant 0 : i32
      %dma_start3A_53 = tpu.memref_slice %arg6[%dma_start3A_50, %dma_start3A_51, %dma_start3A_52] : memref<2x1280x32xf32, #tpu.memory_space<vmem>> -> memref<1x1280x32xf32, #tpu.memory_space<vmem>>
      %dma_start3A_54 = tpu.memref_squeeze %dma_start3A_53 : memref<1x1280x32xf32, #tpu.memory_space<vmem>> -> memref<1280x32xf32, #tpu.memory_space<vmem>>
      %dma_start3A_55 = arith.constant 256 : i32
      %dma_start3A_56 = arith.constant 0 : i32
      %dma_start3A_57 = tpu.memref_slice %dma_start3A_54[%dma_start3A_55, %dma_start3A_56] : memref<1280x32xf32, #tpu.memory_space<vmem>> -> memref<128x32xf32, #tpu.memory_space<vmem>>
      %dma_start3A_58 = arith.constant 0 : i32
      %dma_start3A_59 = tpu.memref_slice %arg5[%add3A_49, %dma_start3A_58] : memref<200x128xi32, #tpu.memory_space<vmem>> -> memref<1x128xi32, #tpu.memory_space<vmem>>
      %dma_start3A_60 = tpu.memref_squeeze %dma_start3A_59 : memref<1x128xi32, #tpu.memory_space<vmem>> -> memref<128xi32, #tpu.memory_space<vmem>>
      %dma_start3A_61 = arith.constant 0 : i32
      %dma_start3A_62 = arith.constant 0 : i32
      %dma_start3A_63 = tpu.memref_slice %arg2[%dma_start3A_61, %dma_start3A_62] : memref<1000000x32xf32, #tpu.memory_space<hbm>> -> memref<1000000x32xf32, #tpu.memory_space<hbm>>
      tpu.enqueue_indirect_dma source(%dma_start3A_63 : memref<1000000x32xf32, #tpu.memory_space<hbm>>) target(%dma_start3A_57 : memref<128x32xf32, #tpu.memory_space<vmem>>) offsets(%dma_start3A_60 : memref<128xi32, #tpu.memory_space<vmem>>) semaphore(%arg7 : memref<!tpu.dma_semaphore, #tpu.memory_space<semaphore_mem>>)
      %mul3A_64 = arith.constant 10 : i32
      %mul3A_65 = arith.muli %mul3A_10, %mul3A_64 : i32
      %add3A_66 = arith.constant 3 : i32
      %add3A_67 = arith.addi %mul3A_65, %add3A_66 : i32
      %dma_start3A_68 = arith.constant 0 : i32
      %dma_start3A_69 = arith.constant 0 : i32
      %dma_start3A_70 = arith.constant 0 : i32
      %dma_start3A_71 = tpu.memref_slice %arg6[%dma_start3A_68, %dma_start3A_69, %dma_start3A_70] : memref<2x1280x32xf32, #tpu.memory_space<vmem>> -> memref<1x1280x32xf32, #tpu.memory_space<vmem>>
      %dma_start3A_72 = tpu.memref_squeeze %dma_start3A_71 : memref<1x1280x32xf32, #tpu.memory_space<vmem>> -> memref<1280x32xf32, #tpu.memory_space<vmem>>
      %dma_start3A_73 = arith.constant 384 : i32
      %dma_start3A_74 = arith.constant 0 : i32
      %dma_start3A_75 = tpu.memref_slice %dma_start3A_72[%dma_start3A_73, %dma_start3A_74] : memref<1280x32xf32, #tpu.memory_space<vmem>> -> memref<128x32xf32, #tpu.memory_space<vmem>>
      %dma_start3A_76 = arith.constant 0 : i32
      %dma_start3A_77 = tpu.memref_slice %arg5[%add3A_67, %dma_start3A_76] : memref<200x128xi32, #tpu.memory_space<vmem>> -> memref<1x128xi32, #tpu.memory_space<vmem>>
      %dma_start3A_78 = tpu.memref_squeeze %dma_start3A_77 : memref<1x128xi32, #tpu.memory_space<vmem>> -> memref<128xi32, #tpu.memory_space<vmem>>
      %dma_start3A_79 = arith.constant 0 : i32
      %dma_start3A_80 = arith.constant 0 : i32
      %dma_start3A_81 = tpu.memref_slice %arg2[%dma_start3A_79, %dma_start3A_80] : memref<1000000x32xf32, #tpu.memory_space<hbm>> -> memref<1000000x32xf32, #tpu.memory_space<hbm>>
      tpu.enqueue_indirect_dma source(%dma_start3A_81 : memref<1000000x32xf32, #tpu.memory_space<hbm>>) target(%dma_start3A_75 : memref<128x32xf32, #tpu.memory_space<vmem>>) offsets(%dma_start3A_78 : memref<128xi32, #tpu.memory_space<vmem>>) semaphore(%arg7 : memref<!tpu.dma_semaphore, #tpu.memory_space<semaphore_mem>>)
      %mul3A_82 = arith.constant 10 : i32
      %mul3A_83 = arith.muli %mul3A_10, %mul3A_82 : i32
      %add3A_84 = arith.constant 4 : i32
      %add3A_85 = arith.addi %mul3A_83, %add3A_84 : i32
      %dma_start3A_86 = arith.constant 0 : i32
      %dma_start3A_87 = arith.constant 0 : i32
      %dma_start3A_88 = arith.constant 0 : i32
      %dma_start3A_89 = tpu.memref_slice %arg6[%dma_start3A_86, %dma_start3A_87, %dma_start3A_88] : memref<2x1280x32xf32, #tpu.memory_space<vmem>> -> memref<1x1280x32xf32, #tpu.memory_space<vmem>>
      %dma_start3A_90 = tpu.memref_squeeze %dma_start3A_89 : memref<1x1280x32xf32, #tpu.memory_space<vmem>> -> memref<1280x32xf32, #tpu.memory_space<vmem>>
      %dma_start3A_91 = arith.constant 512 : i32
      %dma_start3A_92 = arith.constant 0 : i32
      %dma_start3A_93 = tpu.memref_slice %dma_start3A_90[%dma_start3A_91, %dma_start3A_92] : memref<1280x32xf32, #tpu.memory_space<vmem>> -> memref<128x32xf32, #tpu.memory_space<vmem>>
      %dma_start3A_94 = arith.constant 0 : i32
      %dma_start3A_95 = tpu.memref_slice %arg5[%add3A_85, %dma_start3A_94] : memref<200x128xi32, #tpu.memory_space<vmem>> -> memref<1x128xi32, #tpu.memory_space<vmem>>
      %dma_start3A_96 = tpu.memref_squeeze %dma_start3A_95 : memref<1x128xi32, #tpu.memory_space<vmem>> -> memref<128xi32, #tpu.memory_space<vmem>>
      %dma_start3A_97 = arith.constant 0 : i32
      %dma_start3A_98 = arith.constant 0 : i32
      %dma_start3A_99 = tpu.memref_slice %arg2[%dma_start3A_97, %dma_start3A_98] : memref<1000000x32xf32, #tpu.memory_space<hbm>> -> memref<1000000x32xf32, #tpu.memory_space<hbm>>
      tpu.enqueue_indirect_dma source(%dma_start3A_99 : memref<1000000x32xf32, #tpu.memory_space<hbm>>) target(%dma_start3A_93 : memref<128x32xf32, #tpu.memory_space<vmem>>) offsets(%dma_start3A_96 : memref<128xi32, #tpu.memory_space<vmem>>) semaphore(%arg7 : memref<!tpu.dma_semaphore, #tpu.memory_space<semaphore_mem>>)
      %mul3A_100 = arith.constant 10 : i32
      %mul3A_101 = arith.muli %mul3A_10, %mul3A_100 : i32
      %add3A_102 = arith.constant 5 : i32
      %add3A_103 = arith.addi %mul3A_101, %add3A_102 : i32
      %dma_start3A_104 = arith.constant 0 : i32
      %dma_start3A_105 = arith.constant 0 : i32
      %dma_start3A_106 = arith.constant 0 : i32
      %dma_start3A_107 = tpu.memref_slice %arg6[%dma_start3A_104, %dma_start3A_105, %dma_start3A_106] : memref<2x1280x32xf32, #tpu.memory_space<vmem>> -> memref<1x1280x32xf32, #tpu.memory_space<vmem>>
      %dma_start3A_108 = tpu.memref_squeeze %dma_start3A_107 : memref<1x1280x32xf32, #tpu.memory_space<vmem>> -> memref<1280x32xf32, #tpu.memory_space<vmem>>
      %dma_start3A_109 = arith.constant 640 : i32
      %dma_start3A_110 = arith.constant 0 : i32
      %dma_start3A_111 = tpu.memref_slice %dma_start3A_108[%dma_start3A_109, %dma_start3A_110] : memref<1280x32xf32, #tpu.memory_space<vmem>> -> memref<128x32xf32, #tpu.memory_space<vmem>>
      %dma_start3A_112 = arith.constant 0 : i32
      %dma_start3A_113 = tpu.memref_slice %arg5[%add3A_103, %dma_start3A_112] : memref<200x128xi32, #tpu.memory_space<vmem>> -> memref<1x128xi32, #tpu.memory_space<vmem>>
      %dma_start3A_114 = tpu.memref_squeeze %dma_start3A_113 : memref<1x128xi32, #tpu.memory_space<vmem>> -> memref<128xi32, #tpu.memory_space<vmem>>
      %dma_start3A_115 = arith.constant 0 : i32
      %dma_start3A_116 = arith.constant 0 : i32
      %dma_start3A_117 = tpu.memref_slice %arg2[%dma_start3A_115, %dma_start3A_116] : memref<1000000x32xf32, #tpu.memory_space<hbm>> -> memref<1000000x32xf32, #tpu.memory_space<hbm>>
      tpu.enqueue_indirect_dma source(%dma_start3A_117 : memref<1000000x32xf32, #tpu.memory_space<hbm>>) target(%dma_start3A_111 : memref<128x32xf32, #tpu.memory_space<vmem>>) offsets(%dma_start3A_114 : memref<128xi32, #tpu.memory_space<vmem>>) semaphore(%arg7 : memref<!tpu.dma_semaphore, #tpu.memory_space<semaphore_mem>>)
      %mul3A_118 = arith.constant 10 : i32
      %mul3A_119 = arith.muli %mul3A_10, %mul3A_118 : i32
      %add3A_120 = arith.constant 6 : i32
      %add3A_121 = arith.addi %mul3A_119, %add3A_120 : i32
      %dma_start3A_122 = arith.constant 0 : i32
      %dma_start3A_123 = arith.constant 0 : i32
      %dma_start3A_124 = arith.constant 0 : i32
      %dma_start3A_125 = tpu.memref_slice %arg6[%dma_start3A_122, %dma_start3A_123, %dma_start3A_124] : memref<2x1280x32xf32, #tpu.memory_space<vmem>> -> memref<1x1280x32xf32, #tpu.memory_space<vmem>>
      %dma_start3A_126 = tpu.memref_squeeze %dma_start3A_125 : memref<1x1280x32xf32, #tpu.memory_space<vmem>> -> memref<1280x32xf32, #tpu.memory_space<vmem>>
      %dma_start3A_127 = arith.constant 768 : i32
      %dma_start3A_128 = arith.constant 0 : i32
      %dma_start3A_129 = tpu.memref_slice %dma_start3A_126[%dma_start3A_127, %dma_start3A_128] : memref<1280x32xf32, #tpu.memory_space<vmem>> -> memref<128x32xf32, #tpu.memory_space<vmem>>
      %dma_start3A_130 = arith.constant 0 : i32
      %dma_start3A_131 = tpu.memref_slice %arg5[%add3A_121, %dma_start3A_130] : memref<200x128xi32, #tpu.memory_space<vmem>> -> memref<1x128xi32, #tpu.memory_space<vmem>>
      %dma_start3A_132 = tpu.memref_squeeze %dma_start3A_131 : memref<1x128xi32, #tpu.memory_space<vmem>> -> memref<128xi32, #tpu.memory_space<vmem>>
      %dma_start3A_133 = arith.constant 0 : i32
      %dma_start3A_134 = arith.constant 0 : i32
      %dma_start3A_135 = tpu.memref_slice %arg2[%dma_start3A_133, %dma_start3A_134] : memref<1000000x32xf32, #tpu.memory_space<hbm>> -> memref<1000000x32xf32, #tpu.memory_space<hbm>>
      tpu.enqueue_indirect_dma source(%dma_start3A_135 : memref<1000000x32xf32, #tpu.memory_space<hbm>>) target(%dma_start3A_129 : memref<128x32xf32, #tpu.memory_space<vmem>>) offsets(%dma_start3A_132 : memref<128xi32, #tpu.memory_space<vmem>>) semaphore(%arg7 : memref<!tpu.dma_semaphore, #tpu.memory_space<semaphore_mem>>)
      %mul3A_136 = arith.constant 10 : i32
      %mul3A_137 = arith.muli %mul3A_10, %mul3A_136 : i32
      %add3A_138 = arith.constant 7 : i32
      %add3A_139 = arith.addi %mul3A_137, %add3A_138 : i32
      %dma_start3A_140 = arith.constant 0 : i32
      %dma_start3A_141 = arith.constant 0 : i32
      %dma_start3A_142 = arith.constant 0 : i32
      %dma_start3A_143 = tpu.memref_slice %arg6[%dma_start3A_140, %dma_start3A_141, %dma_start3A_142] : memref<2x1280x32xf32, #tpu.memory_space<vmem>> -> memref<1x1280x32xf32, #tpu.memory_space<vmem>>
      %dma_start3A_144 = tpu.memref_squeeze %dma_start3A_143 : memref<1x1280x32xf32, #tpu.memory_space<vmem>> -> memref<1280x32xf32, #tpu.memory_space<vmem>>
      %dma_start3A_145 = arith.constant 896 : i32
      %dma_start3A_146 = arith.constant 0 : i32
      %dma_start3A_147 = tpu.memref_slice %dma_start3A_144[%dma_start3A_145, %dma_start3A_146] : memref<1280x32xf32, #tpu.memory_space<vmem>> -> memref<128x32xf32, #tpu.memory_space<vmem>>
      %dma_start3A_148 = arith.constant 0 : i32
      %dma_start3A_149 = tpu.memref_slice %arg5[%add3A_139, %dma_start3A_148] : memref<200x128xi32, #tpu.memory_space<vmem>> -> memref<1x128xi32, #tpu.memory_space<vmem>>
      %dma_start3A_150 = tpu.memref_squeeze %dma_start3A_149 : memref<1x128xi32, #tpu.memory_space<vmem>> -> memref<128xi32, #tpu.memory_space<vmem>>
      %dma_start3A_151 = arith.constant 0 : i32
      %dma_start3A_152 = arith.constant 0 : i32
      %dma_start3A_153 = tpu.memref_slice %arg2[%dma_start3A_151, %dma_start3A_152] : memref<1000000x32xf32, #tpu.memory_space<hbm>> -> memref<1000000x32xf32, #tpu.memory_space<hbm>>
      tpu.enqueue_indirect_dma source(%dma_start3A_153 : memref<1000000x32xf32, #tpu.memory_space<hbm>>) target(%dma_start3A_147 : memref<128x32xf32, #tpu.memory_space<vmem>>) offsets(%dma_start3A_150 : memref<128xi32, #tpu.memory_space<vmem>>) semaphore(%arg7 : memref<!tpu.dma_semaphore, #tpu.memory_space<semaphore_mem>>)
      %mul3A_154 = arith.constant 10 : i32
      %mul3A_155 = arith.muli %mul3A_10, %mul3A_154 : i32
      %add3A_156 = arith.constant 8 : i32
      %add3A_157 = arith.addi %mul3A_155, %add3A_156 : i32
      %dma_start3A_158 = arith.constant 0 : i32
      %dma_start3A_159 = arith.constant 0 : i32
      %dma_start3A_160 = arith.constant 0 : i32
      %dma_start3A_161 = tpu.memref_slice %arg6[%dma_start3A_158, %dma_start3A_159, %dma_start3A_160] : memref<2x1280x32xf32, #tpu.memory_space<vmem>> -> memref<1x1280x32xf32, #tpu.memory_space<vmem>>
      %dma_start3A_162 = tpu.memref_squeeze %dma_start3A_161 : memref<1x1280x32xf32, #tpu.memory_space<vmem>> -> memref<1280x32xf32, #tpu.memory_space<vmem>>
      %dma_start3A_163 = arith.constant 1024 : i32
      %dma_start3A_164 = arith.constant 0 : i32
      %dma_start3A_165 = tpu.memref_slice %dma_start3A_162[%dma_start3A_163, %dma_start3A_164] : memref<1280x32xf32, #tpu.memory_space<vmem>> -> memref<128x32xf32, #tpu.memory_space<vmem>>
      %dma_start3A_166 = arith.constant 0 : i32
      %dma_start3A_167 = tpu.memref_slice %arg5[%add3A_157, %dma_start3A_166] : memref<200x128xi32, #tpu.memory_space<vmem>> -> memref<1x128xi32, #tpu.memory_space<vmem>>
      %dma_start3A_168 = tpu.memref_squeeze %dma_start3A_167 : memref<1x128xi32, #tpu.memory_space<vmem>> -> memref<128xi32, #tpu.memory_space<vmem>>
      %dma_start3A_169 = arith.constant 0 : i32
      %dma_start3A_170 = arith.constant 0 : i32
      %dma_start3A_171 = tpu.memref_slice %arg2[%dma_start3A_169, %dma_start3A_170] : memref<1000000x32xf32, #tpu.memory_space<hbm>> -> memref<1000000x32xf32, #tpu.memory_space<hbm>>
      tpu.enqueue_indirect_dma source(%dma_start3A_171 : memref<1000000x32xf32, #tpu.memory_space<hbm>>) target(%dma_start3A_165 : memref<128x32xf32, #tpu.memory_space<vmem>>) offsets(%dma_start3A_168 : memref<128xi32, #tpu.memory_space<vmem>>) semaphore(%arg7 : memref<!tpu.dma_semaphore, #tpu.memory_space<semaphore_mem>>)
      %mul3A_172 = arith.constant 10 : i32
      %mul3A_173 = arith.muli %mul3A_10, %mul3A_172 : i32
      %add3A_174 = arith.constant 9 : i32
      %add3A_175 = arith.addi %mul3A_173, %add3A_174 : i32
      %dma_start3A_176 = arith.constant 0 : i32
      %dma_start3A_177 = arith.constant 0 : i32
      %dma_start3A_178 = arith.constant 0 : i32
      %dma_start3A_179 = tpu.memref_slice %arg6[%dma_start3A_176, %dma_start3A_177, %dma_start3A_178] : memref<2x1280x32xf32, #tpu.memory_space<vmem>> -> memref<1x1280x32xf32, #tpu.memory_space<vmem>>
      %dma_start3A_180 = tpu.memref_squeeze %dma_start3A_179 : memref<1x1280x32xf32, #tpu.memory_space<vmem>> -> memref<1280x32xf32, #tpu.memory_space<vmem>>
      %dma_start3A_181 = arith.constant 1152 : i32
      %dma_start3A_182 = arith.constant 0 : i32
      %dma_start3A_183 = tpu.memref_slice %dma_start3A_180[%dma_start3A_181, %dma_start3A_182] : memref<1280x32xf32, #tpu.memory_space<vmem>> -> memref<128x32xf32, #tpu.memory_space<vmem>>
      %dma_start3A_184 = arith.constant 0 : i32
      %dma_start3A_185 = tpu.memref_slice %arg5[%add3A_175, %dma_start3A_184] : memref<200x128xi32, #tpu.memory_space<vmem>> -> memref<1x128xi32, #tpu.memory_space<vmem>>
      %dma_start3A_186 = tpu.memref_squeeze %dma_start3A_185 : memref<1x128xi32, #tpu.memory_space<vmem>> -> memref<128xi32, #tpu.memory_space<vmem>>
      %dma_start3A_187 = arith.constant 0 : i32
      %dma_start3A_188 = arith.constant 0 : i32
      %dma_start3A_189 = tpu.memref_slice %arg2[%dma_start3A_187, %dma_start3A_188] : memref<1000000x32xf32, #tpu.memory_space<hbm>> -> memref<1000000x32xf32, #tpu.memory_space<hbm>>
      tpu.enqueue_indirect_dma source(%dma_start3A_189 : memref<1000000x32xf32, #tpu.memory_space<hbm>>) target(%dma_start3A_183 : memref<128x32xf32, #tpu.memory_space<vmem>>) offsets(%dma_start3A_186 : memref<128xi32, #tpu.memory_space<vmem>>) semaphore(%arg7 : memref<!tpu.dma_semaphore, #tpu.memory_space<semaphore_mem>>)
      %mul3A_190 = arith.constant 2 : i32
      %mul3A_191 = arith.muli %mul3A_190, %scan3A_8 : i32
      %add3A_192 = arith.constant 1 : i32
      %add3A_193 = arith.addi %mul3A_191, %add3A_192 : i32
      %mul3A_194 = arith.constant 10 : i32
      %mul3A_195 = arith.muli %add3A_193, %mul3A_194 : i32
      %add3A_196 = arith.constant 0 : i32
      %add3A_197 = arith.addi %mul3A_195, %add3A_196 : i32
      %dma_start3A_198 = arith.constant 1 : i32
      %dma_start3A_199 = arith.constant 0 : i32
      %dma_start3A_200 = arith.constant 0 : i32
      %dma_start3A_201 = tpu.memref_slice %arg6[%dma_start3A_198, %dma_start3A_199, %dma_start3A_200] : memref<2x1280x32xf32, #tpu.memory_space<vmem>> -> memref<1x1280x32xf32, #tpu.memory_space<vmem>>
      %dma_start3A_202 = tpu.memref_squeeze %dma_start3A_201 : memref<1x1280x32xf32, #tpu.memory_space<vmem>> -> memref<1280x32xf32, #tpu.memory_space<vmem>>
      %dma_start3A_203 = arith.constant 0 : i32
      %dma_start3A_204 = arith.constant 0 : i32
      %dma_start3A_205 = tpu.memref_slice %dma_start3A_202[%dma_start3A_203, %dma_start3A_204] : memref<1280x32xf32, #tpu.memory_space<vmem>> -> memref<128x32xf32, #tpu.memory_space<vmem>>
      %dma_start3A_206 = arith.constant 0 : i32
      %dma_start3A_207 = tpu.memref_slice %arg5[%add3A_197, %dma_start3A_206] : memref<200x128xi32, #tpu.memory_space<vmem>> -> memref<1x128xi32, #tpu.memory_space<vmem>>
      %dma_start3A_208 = tpu.memref_squeeze %dma_start3A_207 : memref<1x128xi32, #tpu.memory_space<vmem>> -> memref<128xi32, #tpu.memory_space<vmem>>
      %dma_start3A_209 = arith.constant 0 : i32
      %dma_start3A_210 = arith.constant 0 : i32
      %dma_start3A_211 = tpu.memref_slice %arg2[%dma_start3A_209, %dma_start3A_210] : memref<1000000x32xf32, #tpu.memory_space<hbm>> -> memref<1000000x32xf32, #tpu.memory_space<hbm>>
      tpu.enqueue_indirect_dma source(%dma_start3A_211 : memref<1000000x32xf32, #tpu.memory_space<hbm>>) target(%dma_start3A_205 : memref<128x32xf32, #tpu.memory_space<vmem>>) offsets(%dma_start3A_208 : memref<128xi32, #tpu.memory_space<vmem>>) semaphore(%arg7 : memref<!tpu.dma_semaphore, #tpu.memory_space<semaphore_mem>>)
      %mul3A_212 = arith.constant 10 : i32
      %mul3A_213 = arith.muli %add3A_193, %mul3A_212 : i32
      %add3A_214 = arith.constant 1 : i32
      %add3A_215 = arith.addi %mul3A_213, %add3A_214 : i32
      %dma_start3A_216 = arith.constant 1 : i32
      %dma_start3A_217 = arith.constant 0 : i32
      %dma_start3A_218 = arith.constant 0 : i32
      %dma_start3A_219 = tpu.memref_slice %arg6[%dma_start3A_216, %dma_start3A_217, %dma_start3A_218] : memref<2x1280x32xf32, #tpu.memory_space<vmem>> -> memref<1x1280x32xf32, #tpu.memory_space<vmem>>
      %dma_start3A_220 = tpu.memref_squeeze %dma_start3A_219 : memref<1x1280x32xf32, #tpu.memory_space<vmem>> -> memref<1280x32xf32, #tpu.memory_space<vmem>>
      %dma_start3A_221 = arith.constant 128 : i32
      %dma_start3A_222 = arith.constant 0 : i32
      %dma_start3A_223 = tpu.memref_slice %dma_start3A_220[%dma_start3A_221, %dma_start3A_222] : memref<1280x32xf32, #tpu.memory_space<vmem>> -> memref<128x32xf32, #tpu.memory_space<vmem>>
      %dma_start3A_224 = arith.constant 0 : i32
      %dma_start3A_225 = tpu.memref_slice %arg5[%add3A_215, %dma_start3A_224] : memref<200x128xi32, #tpu.memory_space<vmem>> -> memref<1x128xi32, #tpu.memory_space<vmem>>
      %dma_start3A_226 = tpu.memref_squeeze %dma_start3A_225 : memref<1x128xi32, #tpu.memory_space<vmem>> -> memref<128xi32, #tpu.memory_space<vmem>>
      %dma_start3A_227 = arith.constant 0 : i32
      %dma_start3A_228 = arith.constant 0 : i32
      %dma_start3A_229 = tpu.memref_slice %arg2[%dma_start3A_227, %dma_start3A_228] : memref<1000000x32xf32, #tpu.memory_space<hbm>> -> memref<1000000x32xf32, #tpu.memory_space<hbm>>
      tpu.enqueue_indirect_dma source(%dma_start3A_229 : memref<1000000x32xf32, #tpu.memory_space<hbm>>) target(%dma_start3A_223 : memref<128x32xf32, #tpu.memory_space<vmem>>) offsets(%dma_start3A_226 : memref<128xi32, #tpu.memory_space<vmem>>) semaphore(%arg7 : memref<!tpu.dma_semaphore, #tpu.memory_space<semaphore_mem>>)
      %mul3A_230 = arith.constant 10 : i32
      %mul3A_231 = arith.muli %add3A_193, %mul3A_230 : i32
      %add3A_232 = arith.constant 2 : i32
      %add3A_233 = arith.addi %mul3A_231, %add3A_232 : i32
      %dma_start3A_234 = arith.constant 1 : i32
      %dma_start3A_235 = arith.constant 0 : i32
      %dma_start3A_236 = arith.constant 0 : i32
      %dma_start3A_237 = tpu.memref_slice %arg6[%dma_start3A_234, %dma_start3A_235, %dma_start3A_236] : memref<2x1280x32xf32, #tpu.memory_space<vmem>> -> memref<1x1280x32xf32, #tpu.memory_space<vmem>>
      %dma_start3A_238 = tpu.memref_squeeze %dma_start3A_237 : memref<1x1280x32xf32, #tpu.memory_space<vmem>> -> memref<1280x32xf32, #tpu.memory_space<vmem>>
      %dma_start3A_239 = arith.constant 256 : i32
      %dma_start3A_240 = arith.constant 0 : i32
      %dma_start3A_241 = tpu.memref_slice %dma_start3A_238[%dma_start3A_239, %dma_start3A_240] : memref<1280x32xf32, #tpu.memory_space<vmem>> -> memref<128x32xf32, #tpu.memory_space<vmem>>
      %dma_start3A_242 = arith.constant 0 : i32
      %dma_start3A_243 = tpu.memref_slice %arg5[%add3A_233, %dma_start3A_242] : memref<200x128xi32, #tpu.memory_space<vmem>> -> memref<1x128xi32, #tpu.memory_space<vmem>>
      %dma_start3A_244 = tpu.memref_squeeze %dma_start3A_243 : memref<1x128xi32, #tpu.memory_space<vmem>> -> memref<128xi32, #tpu.memory_space<vmem>>
      %dma_start3A_245 = arith.constant 0 : i32
      %dma_start3A_246 = arith.constant 0 : i32
      %dma_start3A_247 = tpu.memref_slice %arg2[%dma_start3A_245, %dma_start3A_246] : memref<1000000x32xf32, #tpu.memory_space<hbm>> -> memref<1000000x32xf32, #tpu.memory_space<hbm>>
      tpu.enqueue_indirect_dma source(%dma_start3A_247 : memref<1000000x32xf32, #tpu.memory_space<hbm>>) target(%dma_start3A_241 : memref<128x32xf32, #tpu.memory_space<vmem>>) offsets(%dma_start3A_244 : memref<128xi32, #tpu.memory_space<vmem>>) semaphore(%arg7 : memref<!tpu.dma_semaphore, #tpu.memory_space<semaphore_mem>>)
      %mul3A_248 = arith.constant 10 : i32
      %mul3A_249 = arith.muli %add3A_193, %mul3A_248 : i32
      %add3A_250 = arith.constant 3 : i32
      %add3A_251 = arith.addi %mul3A_249, %add3A_250 : i32
      %dma_start3A_252 = arith.constant 1 : i32
      %dma_start3A_253 = arith.constant 0 : i32
      %dma_start3A_254 = arith.constant 0 : i32
      %dma_start3A_255 = tpu.memref_slice %arg6[%dma_start3A_252, %dma_start3A_253, %dma_start3A_254] : memref<2x1280x32xf32, #tpu.memory_space<vmem>> -> memref<1x1280x32xf32, #tpu.memory_space<vmem>>
      %dma_start3A_256 = tpu.memref_squeeze %dma_start3A_255 : memref<1x1280x32xf32, #tpu.memory_space<vmem>> -> memref<1280x32xf32, #tpu.memory_space<vmem>>
      %dma_start3A_257 = arith.constant 384 : i32
      %dma_start3A_258 = arith.constant 0 : i32
      %dma_start3A_259 = tpu.memref_slice %dma_start3A_256[%dma_start3A_257, %dma_start3A_258] : memref<1280x32xf32, #tpu.memory_space<vmem>> -> memref<128x32xf32, #tpu.memory_space<vmem>>
      %dma_start3A_260 = arith.constant 0 : i32
      %dma_start3A_261 = tpu.memref_slice %arg5[%add3A_251, %dma_start3A_260] : memref<200x128xi32, #tpu.memory_space<vmem>> -> memref<1x128xi32, #tpu.memory_space<vmem>>
      %dma_start3A_262 = tpu.memref_squeeze %dma_start3A_261 : memref<1x128xi32, #tpu.memory_space<vmem>> -> memref<128xi32, #tpu.memory_space<vmem>>
      %dma_start3A_263 = arith.constant 0 : i32
      %dma_start3A_264 = arith.constant 0 : i32
      %dma_start3A_265 = tpu.memref_slice %arg2[%dma_start3A_263, %dma_start3A_264] : memref<1000000x32xf32, #tpu.memory_space<hbm>> -> memref<1000000x32xf32, #tpu.memory_space<hbm>>
      tpu.enqueue_indirect_dma source(%dma_start3A_265 : memref<1000000x32xf32, #tpu.memory_space<hbm>>) target(%dma_start3A_259 : memref<128x32xf32, #tpu.memory_space<vmem>>) offsets(%dma_start3A_262 : memref<128xi32, #tpu.memory_space<vmem>>) semaphore(%arg7 : memref<!tpu.dma_semaphore, #tpu.memory_space<semaphore_mem>>)
      %mul3A_266 = arith.constant 10 : i32
      %mul3A_267 = arith.muli %add3A_193, %mul3A_266 : i32
      %add3A_268 = arith.constant 4 : i32
      %add3A_269 = arith.addi %mul3A_267, %add3A_268 : i32
      %dma_start3A_270 = arith.constant 1 : i32
      %dma_start3A_271 = arith.constant 0 : i32
      %dma_start3A_272 = arith.constant 0 : i32
      %dma_start3A_273 = tpu.memref_slice %arg6[%dma_start3A_270, %dma_start3A_271, %dma_start3A_272] : memref<2x1280x32xf32, #tpu.memory_space<vmem>> -> memref<1x1280x32xf32, #tpu.memory_space<vmem>>
      %dma_start3A_274 = tpu.memref_squeeze %dma_start3A_273 : memref<1x1280x32xf32, #tpu.memory_space<vmem>> -> memref<1280x32xf32, #tpu.memory_space<vmem>>
      %dma_start3A_275 = arith.constant 512 : i32
      %dma_start3A_276 = arith.constant 0 : i32
      %dma_start3A_277 = tpu.memref_slice %dma_start3A_274[%dma_start3A_275, %dma_start3A_276] : memref<1280x32xf32, #tpu.memory_space<vmem>> -> memref<128x32xf32, #tpu.memory_space<vmem>>
      %dma_start3A_278 = arith.constant 0 : i32
      %dma_start3A_279 = tpu.memref_slice %arg5[%add3A_269, %dma_start3A_278] : memref<200x128xi32, #tpu.memory_space<vmem>> -> memref<1x128xi32, #tpu.memory_space<vmem>>
      %dma_start3A_280 = tpu.memref_squeeze %dma_start3A_279 : memref<1x128xi32, #tpu.memory_space<vmem>> -> memref<128xi32, #tpu.memory_space<vmem>>
      %dma_start3A_281 = arith.constant 0 : i32
      %dma_start3A_282 = arith.constant 0 : i32
      %dma_start3A_283 = tpu.memref_slice %arg2[%dma_start3A_281, %dma_start3A_282] : memref<1000000x32xf32, #tpu.memory_space<hbm>> -> memref<1000000x32xf32, #tpu.memory_space<hbm>>
      tpu.enqueue_indirect_dma source(%dma_start3A_283 : memref<1000000x32xf32, #tpu.memory_space<hbm>>) target(%dma_start3A_277 : memref<128x32xf32, #tpu.memory_space<vmem>>) offsets(%dma_start3A_280 : memref<128xi32, #tpu.memory_space<vmem>>) semaphore(%arg7 : memref<!tpu.dma_semaphore, #tpu.memory_space<semaphore_mem>>)
      %mul3A_284 = arith.constant 10 : i32
      %mul3A_285 = arith.muli %add3A_193, %mul3A_284 : i32
      %add3A_286 = arith.constant 5 : i32
      %add3A_287 = arith.addi %mul3A_285, %add3A_286 : i32
      %dma_start3A_288 = arith.constant 1 : i32
      %dma_start3A_289 = arith.constant 0 : i32
      %dma_start3A_290 = arith.constant 0 : i32
      %dma_start3A_291 = tpu.memref_slice %arg6[%dma_start3A_288, %dma_start3A_289, %dma_start3A_290] : memref<2x1280x32xf32, #tpu.memory_space<vmem>> -> memref<1x1280x32xf32, #tpu.memory_space<vmem>>
      %dma_start3A_292 = tpu.memref_squeeze %dma_start3A_291 : memref<1x1280x32xf32, #tpu.memory_space<vmem>> -> memref<1280x32xf32, #tpu.memory_space<vmem>>
      %dma_start3A_293 = arith.constant 640 : i32
      %dma_start3A_294 = arith.constant 0 : i32
      %dma_start3A_295 = tpu.memref_slice %dma_start3A_292[%dma_start3A_293, %dma_start3A_294] : memref<1280x32xf32, #tpu.memory_space<vmem>> -> memref<128x32xf32, #tpu.memory_space<vmem>>
      %dma_start3A_296 = arith.constant 0 : i32
      %dma_start3A_297 = tpu.memref_slice %arg5[%add3A_287, %dma_start3A_296] : memref<200x128xi32, #tpu.memory_space<vmem>> -> memref<1x128xi32, #tpu.memory_space<vmem>>
      %dma_start3A_298 = tpu.memref_squeeze %dma_start3A_297 : memref<1x128xi32, #tpu.memory_space<vmem>> -> memref<128xi32, #tpu.memory_space<vmem>>
      %dma_start3A_299 = arith.constant 0 : i32
      %dma_start3A_300 = arith.constant 0 : i32
      %dma_start3A_301 = tpu.memref_slice %arg2[%dma_start3A_299, %dma_start3A_300] : memref<1000000x32xf32, #tpu.memory_space<hbm>> -> memref<1000000x32xf32, #tpu.memory_space<hbm>>
      tpu.enqueue_indirect_dma source(%dma_start3A_301 : memref<1000000x32xf32, #tpu.memory_space<hbm>>) target(%dma_start3A_295 : memref<128x32xf32, #tpu.memory_space<vmem>>) offsets(%dma_start3A_298 : memref<128xi32, #tpu.memory_space<vmem>>) semaphore(%arg7 : memref<!tpu.dma_semaphore, #tpu.memory_space<semaphore_mem>>)
      %mul3A_302 = arith.constant 10 : i32
      %mul3A_303 = arith.muli %add3A_193, %mul3A_302 : i32
      %add3A_304 = arith.constant 6 : i32
      %add3A_305 = arith.addi %mul3A_303, %add3A_304 : i32
      %dma_start3A_306 = arith.constant 1 : i32
      %dma_start3A_307 = arith.constant 0 : i32
      %dma_start3A_308 = arith.constant 0 : i32
      %dma_start3A_309 = tpu.memref_slice %arg6[%dma_start3A_306, %dma_start3A_307, %dma_start3A_308] : memref<2x1280x32xf32, #tpu.memory_space<vmem>> -> memref<1x1280x32xf32, #tpu.memory_space<vmem>>
      %dma_start3A_310 = tpu.memref_squeeze %dma_start3A_309 : memref<1x1280x32xf32, #tpu.memory_space<vmem>> -> memref<1280x32xf32, #tpu.memory_space<vmem>>
      %dma_start3A_311 = arith.constant 768 : i32
      %dma_start3A_312 = arith.constant 0 : i32
      %dma_start3A_313 = tpu.memref_slice %dma_start3A_310[%dma_start3A_311, %dma_start3A_312] : memref<1280x32xf32, #tpu.memory_space<vmem>> -> memref<128x32xf32, #tpu.memory_space<vmem>>
      %dma_start3A_314 = arith.constant 0 : i32
      %dma_start3A_315 = tpu.memref_slice %arg5[%add3A_305, %dma_start3A_314] : memref<200x128xi32, #tpu.memory_space<vmem>> -> memref<1x128xi32, #tpu.memory_space<vmem>>
      %dma_start3A_316 = tpu.memref_squeeze %dma_start3A_315 : memref<1x128xi32, #tpu.memory_space<vmem>> -> memref<128xi32, #tpu.memory_space<vmem>>
      %dma_start3A_317 = arith.constant 0 : i32
      %dma_start3A_318 = arith.constant 0 : i32
      %dma_start3A_319 = tpu.memref_slice %arg2[%dma_start3A_317, %dma_start3A_318] : memref<1000000x32xf32, #tpu.memory_space<hbm>> -> memref<1000000x32xf32, #tpu.memory_space<hbm>>
      tpu.enqueue_indirect_dma source(%dma_start3A_319 : memref<1000000x32xf32, #tpu.memory_space<hbm>>) target(%dma_start3A_313 : memref<128x32xf32, #tpu.memory_space<vmem>>) offsets(%dma_start3A_316 : memref<128xi32, #tpu.memory_space<vmem>>) semaphore(%arg7 : memref<!tpu.dma_semaphore, #tpu.memory_space<semaphore_mem>>)
      %mul3A_320 = arith.constant 10 : i32
      %mul3A_321 = arith.muli %add3A_193, %mul3A_320 : i32
      %add3A_322 = arith.constant 7 : i32
      %add3A_323 = arith.addi %mul3A_321, %add3A_322 : i32
      %dma_start3A_324 = arith.constant 1 : i32
      %dma_start3A_325 = arith.constant 0 : i32
      %dma_start3A_326 = arith.constant 0 : i32
      %dma_start3A_327 = tpu.memref_slice %arg6[%dma_start3A_324, %dma_start3A_325, %dma_start3A_326] : memref<2x1280x32xf32, #tpu.memory_space<vmem>> -> memref<1x1280x32xf32, #tpu.memory_space<vmem>>
      %dma_start3A_328 = tpu.memref_squeeze %dma_start3A_327 : memref<1x1280x32xf32, #tpu.memory_space<vmem>> -> memref<1280x32xf32, #tpu.memory_space<vmem>>
      %dma_start3A_329 = arith.constant 896 : i32
      %dma_start3A_330 = arith.constant 0 : i32
      %dma_start3A_331 = tpu.memref_slice %dma_start3A_328[%dma_start3A_329, %dma_start3A_330] : memref<1280x32xf32, #tpu.memory_space<vmem>> -> memref<128x32xf32, #tpu.memory_space<vmem>>
      %dma_start3A_332 = arith.constant 0 : i32
      %dma_start3A_333 = tpu.memref_slice %arg5[%add3A_323, %dma_start3A_332] : memref<200x128xi32, #tpu.memory_space<vmem>> -> memref<1x128xi32, #tpu.memory_space<vmem>>
      %dma_start3A_334 = tpu.memref_squeeze %dma_start3A_333 : memref<1x128xi32, #tpu.memory_space<vmem>> -> memref<128xi32, #tpu.memory_space<vmem>>
      %dma_start3A_335 = arith.constant 0 : i32
      %dma_start3A_336 = arith.constant 0 : i32
      %dma_start3A_337 = tpu.memref_slice %arg2[%dma_start3A_335, %dma_start3A_336] : memref<1000000x32xf32, #tpu.memory_space<hbm>> -> memref<1000000x32xf32, #tpu.memory_space<hbm>>
      tpu.enqueue_indirect_dma source(%dma_start3A_337 : memref<1000000x32xf32, #tpu.memory_space<hbm>>) target(%dma_start3A_331 : memref<128x32xf32, #tpu.memory_space<vmem>>) offsets(%dma_start3A_334 : memref<128xi32, #tpu.memory_space<vmem>>) semaphore(%arg7 : memref<!tpu.dma_semaphore, #tpu.memory_space<semaphore_mem>>)
      %mul3A_338 = arith.constant 10 : i32
      %mul3A_339 = arith.muli %add3A_193, %mul3A_338 : i32
      %add3A_340 = arith.constant 8 : i32
      %add3A_341 = arith.addi %mul3A_339, %add3A_340 : i32
      %dma_start3A_342 = arith.constant 1 : i32
      %dma_start3A_343 = arith.constant 0 : i32
      %dma_start3A_344 = arith.constant 0 : i32
      %dma_start3A_345 = tpu.memref_slice %arg6[%dma_start3A_342, %dma_start3A_343, %dma_start3A_344] : memref<2x1280x32xf32, #tpu.memory_space<vmem>> -> memref<1x1280x32xf32, #tpu.memory_space<vmem>>
      %dma_start3A_346 = tpu.memref_squeeze %dma_start3A_345 : memref<1x1280x32xf32, #tpu.memory_space<vmem>> -> memref<1280x32xf32, #tpu.memory_space<vmem>>
      %dma_start3A_347 = arith.constant 1024 : i32
      %dma_start3A_348 = arith.constant 0 : i32
      %dma_start3A_349 = tpu.memref_slice %dma_start3A_346[%dma_start3A_347, %dma_start3A_348] : memref<1280x32xf32, #tpu.memory_space<vmem>> -> memref<128x32xf32, #tpu.memory_space<vmem>>
      %dma_start3A_350 = arith.constant 0 : i32
      %dma_start3A_351 = tpu.memref_slice %arg5[%add3A_341, %dma_start3A_350] : memref<200x128xi32, #tpu.memory_space<vmem>> -> memref<1x128xi32, #tpu.memory_space<vmem>>
      %dma_start3A_352 = tpu.memref_squeeze %dma_start3A_351 : memref<1x128xi32, #tpu.memory_space<vmem>> -> memref<128xi32, #tpu.memory_space<vmem>>
      %dma_start3A_353 = arith.constant 0 : i32
      %dma_start3A_354 = arith.constant 0 : i32
      %dma_start3A_355 = tpu.memref_slice %arg2[%dma_start3A_353, %dma_start3A_354] : memref<1000000x32xf32, #tpu.memory_space<hbm>> -> memref<1000000x32xf32, #tpu.memory_space<hbm>>
      tpu.enqueue_indirect_dma source(%dma_start3A_355 : memref<1000000x32xf32, #tpu.memory_space<hbm>>) target(%dma_start3A_349 : memref<128x32xf32, #tpu.memory_space<vmem>>) offsets(%dma_start3A_352 : memref<128xi32, #tpu.memory_space<vmem>>) semaphore(%arg7 : memref<!tpu.dma_semaphore, #tpu.memory_space<semaphore_mem>>)
      %mul3A_356 = arith.constant 10 : i32
      %mul3A_357 = arith.muli %add3A_193, %mul3A_356 : i32
      %add3A_358 = arith.constant 9 : i32
      %add3A_359 = arith.addi %mul3A_357, %add3A_358 : i32
      %dma_start3A_360 = arith.constant 1 : i32
      %dma_start3A_361 = arith.constant 0 : i32
      %dma_start3A_362 = arith.constant 0 : i32
      %dma_start3A_363 = tpu.memref_slice %arg6[%dma_start3A_360, %dma_start3A_361, %dma_start3A_362] : memref<2x1280x32xf32, #tpu.memory_space<vmem>> -> memref<1x1280x32xf32, #tpu.memory_space<vmem>>
      %dma_start3A_364 = tpu.memref_squeeze %dma_start3A_363 : memref<1x1280x32xf32, #tpu.memory_space<vmem>> -> memref<1280x32xf32, #tpu.memory_space<vmem>>
      %dma_start3A_365 = arith.constant 1152 : i32
      %dma_start3A_366 = arith.constant 0 : i32
      %dma_start3A_367 = tpu.memref_slice %dma_start3A_364[%dma_start3A_365, %dma_start3A_366] : memref<1280x32xf32, #tpu.memory_space<vmem>> -> memref<128x32xf32, #tpu.memory_space<vmem>>
      %dma_start3A_368 = arith.constant 0 : i32
      %dma_start3A_369 = tpu.memref_slice %arg5[%add3A_359, %dma_start3A_368] : memref<200x128xi32, #tpu.memory_space<vmem>> -> memref<1x128xi32, #tpu.memory_space<vmem>>
      %dma_start3A_370 = tpu.memref_squeeze %dma_start3A_369 : memref<1x128xi32, #tpu.memory_space<vmem>> -> memref<128xi32, #tpu.memory_space<vmem>>
      %dma_start3A_371 = arith.constant 0 : i32
      %dma_start3A_372 = arith.constant 0 : i32
      %dma_start3A_373 = tpu.memref_slice %arg2[%dma_start3A_371, %dma_start3A_372] : memref<1000000x32xf32, #tpu.memory_space<hbm>> -> memref<1000000x32xf32, #tpu.memory_space<hbm>>
      tpu.enqueue_indirect_dma source(%dma_start3A_373 : memref<1000000x32xf32, #tpu.memory_space<hbm>>) target(%dma_start3A_367 : memref<128x32xf32, #tpu.memory_space<vmem>>) offsets(%dma_start3A_370 : memref<128xi32, #tpu.memory_space<vmem>>) semaphore(%arg7 : memref<!tpu.dma_semaphore, #tpu.memory_space<semaphore_mem>>)
      %mul3A_374 = arith.constant 2 : i32
      %mul3A_375 = arith.muli %mul3A_374, %scan3A_8 : i32
      %dma_wait3A = arith.constant 0 : i32
      %dma_wait3A_376 = arith.constant 0 : i32
      %dma_wait3A_377 = arith.constant 0 : i32
      %dma_wait3A_378 = tpu.memref_slice %arg6[%dma_wait3A, %dma_wait3A_376, %dma_wait3A_377] : memref<2x1280x32xf32, #tpu.memory_space<vmem>> -> memref<1x1280x32xf32, #tpu.memory_space<vmem>>
      %dma_wait3A_379 = tpu.memref_squeeze %dma_wait3A_378 : memref<1x1280x32xf32, #tpu.memory_space<vmem>> -> memref<1280x32xf32, #tpu.memory_space<vmem>>
      %dma_wait3A_380 = arith.constant 0 : i32
      %dma_wait3A_381 = arith.constant 0 : i32
      %dma_wait3A_382 = tpu.memref_slice %dma_wait3A_379[%dma_wait3A_380, %dma_wait3A_381] : memref<1280x32xf32, #tpu.memory_space<vmem>> -> memref<128x32xf32, #tpu.memory_space<vmem>>
      %dma_wait3A_383 = arith.constant 0 : i32
      %dma_wait3A_384 = tpu.memref_slice %arg5[%add3A_14, %dma_wait3A_383] : memref<200x128xi32, #tpu.memory_space<vmem>> -> memref<1x128xi32, #tpu.memory_space<vmem>>
      %dma_wait3A_385 = tpu.memref_squeeze %dma_wait3A_384 : memref<1x128xi32, #tpu.memory_space<vmem>> -> memref<128xi32, #tpu.memory_space<vmem>>
      %dma_wait3A_386 = arith.constant 0 : i32
      %dma_wait3A_387 = arith.constant 0 : i32
      %dma_wait3A_388 = tpu.memref_slice %arg2[%dma_wait3A_386, %dma_wait3A_387] : memref<1000000x32xf32, #tpu.memory_space<hbm>> -> memref<1000000x32xf32, #tpu.memory_space<hbm>>
      tpu.wait_indirect_dma semaphore(%arg7 : memref<!tpu.dma_semaphore, #tpu.memory_space<semaphore_mem>>) src(%dma_wait3A_388 : memref<1000000x32xf32, #tpu.memory_space<hbm>>) dst(%dma_wait3A_382 : memref<128x32xf32, #tpu.memory_space<vmem>>)
      %dma_wait3A_389 = arith.constant 0 : i32
      %dma_wait3A_390 = arith.constant 0 : i32
      %dma_wait3A_391 = arith.constant 0 : i32
      %dma_wait3A_392 = tpu.memref_slice %arg6[%dma_wait3A_389, %dma_wait3A_390, %dma_wait3A_391] : memref<2x1280x32xf32, #tpu.memory_space<vmem>> -> memref<1x1280x32xf32, #tpu.memory_space<vmem>>
      %dma_wait3A_393 = tpu.memref_squeeze %dma_wait3A_392 : memref<1x1280x32xf32, #tpu.memory_space<vmem>> -> memref<1280x32xf32, #tpu.memory_space<vmem>>
      %dma_wait3A_394 = arith.constant 128 : i32
      %dma_wait3A_395 = arith.constant 0 : i32
      %dma_wait3A_396 = tpu.memref_slice %dma_wait3A_393[%dma_wait3A_394, %dma_wait3A_395] : memref<1280x32xf32, #tpu.memory_space<vmem>> -> memref<128x32xf32, #tpu.memory_space<vmem>>
      %dma_wait3A_397 = arith.constant 0 : i32
      %dma_wait3A_398 = tpu.memref_slice %arg5[%add3A_31, %dma_wait3A_397] : memref<200x128xi32, #tpu.memory_space<vmem>> -> memref<1x128xi32, #tpu.memory_space<vmem>>
      %dma_wait3A_399 = tpu.memref_squeeze %dma_wait3A_398 : memref<1x128xi32, #tpu.memory_space<vmem>> -> memref<128xi32, #tpu.memory_space<vmem>>
      %dma_wait3A_400 = arith.constant 0 : i32
      %dma_wait3A_401 = arith.constant 0 : i32
      %dma_wait3A_402 = tpu.memref_slice %arg2[%dma_wait3A_400, %dma_wait3A_401] : memref<1000000x32xf32, #tpu.memory_space<hbm>> -> memref<1000000x32xf32, #tpu.memory_space<hbm>>
      tpu.wait_indirect_dma semaphore(%arg7 : memref<!tpu.dma_semaphore, #tpu.memory_space<semaphore_mem>>) src(%dma_wait3A_402 : memref<1000000x32xf32, #tpu.memory_space<hbm>>) dst(%dma_wait3A_396 : memref<128x32xf32, #tpu.memory_space<vmem>>)
      %dma_wait3A_403 = arith.constant 0 : i32
      %dma_wait3A_404 = arith.constant 0 : i32
      %dma_wait3A_405 = arith.constant 0 : i32
      %dma_wait3A_406 = tpu.memref_slice %arg6[%dma_wait3A_403, %dma_wait3A_404, %dma_wait3A_405] : memref<2x1280x32xf32, #tpu.memory_space<vmem>> -> memref<1x1280x32xf32, #tpu.memory_space<vmem>>
      %dma_wait3A_407 = tpu.memref_squeeze %dma_wait3A_406 : memref<1x1280x32xf32, #tpu.memory_space<vmem>> -> memref<1280x32xf32, #tpu.memory_space<vmem>>
      %dma_wait3A_408 = arith.constant 256 : i32
      %dma_wait3A_409 = arith.constant 0 : i32
      %dma_wait3A_410 = tpu.memref_slice %dma_wait3A_407[%dma_wait3A_408, %dma_wait3A_409] : memref<1280x32xf32, #tpu.memory_space<vmem>> -> memref<128x32xf32, #tpu.memory_space<vmem>>
      %dma_wait3A_411 = arith.constant 0 : i32
      %dma_wait3A_412 = tpu.memref_slice %arg5[%add3A_49, %dma_wait3A_411] : memref<200x128xi32, #tpu.memory_space<vmem>> -> memref<1x128xi32, #tpu.memory_space<vmem>>
      %dma_wait3A_413 = tpu.memref_squeeze %dma_wait3A_412 : memref<1x128xi32, #tpu.memory_space<vmem>> -> memref<128xi32, #tpu.memory_space<vmem>>
      %dma_wait3A_414 = arith.constant 0 : i32
      %dma_wait3A_415 = arith.constant 0 : i32
      %dma_wait3A_416 = tpu.memref_slice %arg2[%dma_wait3A_414, %dma_wait3A_415] : memref<1000000x32xf32, #tpu.memory_space<hbm>> -> memref<1000000x32xf32, #tpu.memory_space<hbm>>
      tpu.wait_indirect_dma semaphore(%arg7 : memref<!tpu.dma_semaphore, #tpu.memory_space<semaphore_mem>>) src(%dma_wait3A_416 : memref<1000000x32xf32, #tpu.memory_space<hbm>>) dst(%dma_wait3A_410 : memref<128x32xf32, #tpu.memory_space<vmem>>)
      %dma_wait3A_417 = arith.constant 0 : i32
      %dma_wait3A_418 = arith.constant 0 : i32
      %dma_wait3A_419 = arith.constant 0 : i32
      %dma_wait3A_420 = tpu.memref_slice %arg6[%dma_wait3A_417, %dma_wait3A_418, %dma_wait3A_419] : memref<2x1280x32xf32, #tpu.memory_space<vmem>> -> memref<1x1280x32xf32, #tpu.memory_space<vmem>>
      %dma_wait3A_421 = tpu.memref_squeeze %dma_wait3A_420 : memref<1x1280x32xf32, #tpu.memory_space<vmem>> -> memref<1280x32xf32, #tpu.memory_space<vmem>>
      %dma_wait3A_422 = arith.constant 384 : i32
      %dma_wait3A_423 = arith.constant 0 : i32
      %dma_wait3A_424 = tpu.memref_slice %dma_wait3A_421[%dma_wait3A_422, %dma_wait3A_423] : memref<1280x32xf32, #tpu.memory_space<vmem>> -> memref<128x32xf32, #tpu.memory_space<vmem>>
      %dma_wait3A_425 = arith.constant 0 : i32
      %dma_wait3A_426 = tpu.memref_slice %arg5[%add3A_67, %dma_wait3A_425] : memref<200x128xi32, #tpu.memory_space<vmem>> -> memref<1x128xi32, #tpu.memory_space<vmem>>
      %dma_wait3A_427 = tpu.memref_squeeze %dma_wait3A_426 : memref<1x128xi32, #tpu.memory_space<vmem>> -> memref<128xi32, #tpu.memory_space<vmem>>
      %dma_wait3A_428 = arith.constant 0 : i32
      %dma_wait3A_429 = arith.constant 0 : i32
      %dma_wait3A_430 = tpu.memref_slice %arg2[%dma_wait3A_428, %dma_wait3A_429] : memref<1000000x32xf32, #tpu.memory_space<hbm>> -> memref<1000000x32xf32, #tpu.memory_space<hbm>>
      tpu.wait_indirect_dma semaphore(%arg7 : memref<!tpu.dma_semaphore, #tpu.memory_space<semaphore_mem>>) src(%dma_wait3A_430 : memref<1000000x32xf32, #tpu.memory_space<hbm>>) dst(%dma_wait3A_424 : memref<128x32xf32, #tpu.memory_space<vmem>>)
      %dma_wait3A_431 = arith.constant 0 : i32
      %dma_wait3A_432 = arith.constant 0 : i32
      %dma_wait3A_433 = arith.constant 0 : i32
      %dma_wait3A_434 = tpu.memref_slice %arg6[%dma_wait3A_431, %dma_wait3A_432, %dma_wait3A_433] : memref<2x1280x32xf32, #tpu.memory_space<vmem>> -> memref<1x1280x32xf32, #tpu.memory_space<vmem>>
      %dma_wait3A_435 = tpu.memref_squeeze %dma_wait3A_434 : memref<1x1280x32xf32, #tpu.memory_space<vmem>> -> memref<1280x32xf32, #tpu.memory_space<vmem>>
      %dma_wait3A_436 = arith.constant 512 : i32
      %dma_wait3A_437 = arith.constant 0 : i32
      %dma_wait3A_438 = tpu.memref_slice %dma_wait3A_435[%dma_wait3A_436, %dma_wait3A_437] : memref<1280x32xf32, #tpu.memory_space<vmem>> -> memref<128x32xf32, #tpu.memory_space<vmem>>
      %dma_wait3A_439 = arith.constant 0 : i32
      %dma_wait3A_440 = tpu.memref_slice %arg5[%add3A_85, %dma_wait3A_439] : memref<200x128xi32, #tpu.memory_space<vmem>> -> memref<1x128xi32, #tpu.memory_space<vmem>>
      %dma_wait3A_441 = tpu.memref_squeeze %dma_wait3A_440 : memref<1x128xi32, #tpu.memory_space<vmem>> -> memref<128xi32, #tpu.memory_space<vmem>>
      %dma_wait3A_442 = arith.constant 0 : i32
      %dma_wait3A_443 = arith.constant 0 : i32
      %dma_wait3A_444 = tpu.memref_slice %arg2[%dma_wait3A_442, %dma_wait3A_443] : memref<1000000x32xf32, #tpu.memory_space<hbm>> -> memref<1000000x32xf32, #tpu.memory_space<hbm>>
      tpu.wait_indirect_dma semaphore(%arg7 : memref<!tpu.dma_semaphore, #tpu.memory_space<semaphore_mem>>) src(%dma_wait3A_444 : memref<1000000x32xf32, #tpu.memory_space<hbm>>) dst(%dma_wait3A_438 : memref<128x32xf32, #tpu.memory_space<vmem>>)
      %dma_wait3A_445 = arith.constant 0 : i32
      %dma_wait3A_446 = arith.constant 0 : i32
      %dma_wait3A_447 = arith.constant 0 : i32
      %dma_wait3A_448 = tpu.memref_slice %arg6[%dma_wait3A_445, %dma_wait3A_446, %dma_wait3A_447] : memref<2x1280x32xf32, #tpu.memory_space<vmem>> -> memref<1x1280x32xf32, #tpu.memory_space<vmem>>
      %dma_wait3A_449 = tpu.memref_squeeze %dma_wait3A_448 : memref<1x1280x32xf32, #tpu.memory_space<vmem>> -> memref<1280x32xf32, #tpu.memory_space<vmem>>
      %dma_wait3A_450 = arith.constant 640 : i32
      %dma_wait3A_451 = arith.constant 0 : i32
      %dma_wait3A_452 = tpu.memref_slice %dma_wait3A_449[%dma_wait3A_450, %dma_wait3A_451] : memref<1280x32xf32, #tpu.memory_space<vmem>> -> memref<128x32xf32, #tpu.memory_space<vmem>>
      %dma_wait3A_453 = arith.constant 0 : i32
      %dma_wait3A_454 = tpu.memref_slice %arg5[%add3A_103, %dma_wait3A_453] : memref<200x128xi32, #tpu.memory_space<vmem>> -> memref<1x128xi32, #tpu.memory_space<vmem>>
      %dma_wait3A_455 = tpu.memref_squeeze %dma_wait3A_454 : memref<1x128xi32, #tpu.memory_space<vmem>> -> memref<128xi32, #tpu.memory_space<vmem>>
      %dma_wait3A_456 = arith.constant 0 : i32
      %dma_wait3A_457 = arith.constant 0 : i32
      %dma_wait3A_458 = tpu.memref_slice %arg2[%dma_wait3A_456, %dma_wait3A_457] : memref<1000000x32xf32, #tpu.memory_space<hbm>> -> memref<1000000x32xf32, #tpu.memory_space<hbm>>
      tpu.wait_indirect_dma semaphore(%arg7 : memref<!tpu.dma_semaphore, #tpu.memory_space<semaphore_mem>>) src(%dma_wait3A_458 : memref<1000000x32xf32, #tpu.memory_space<hbm>>) dst(%dma_wait3A_452 : memref<128x32xf32, #tpu.memory_space<vmem>>)
      %dma_wait3A_459 = arith.constant 0 : i32
      %dma_wait3A_460 = arith.constant 0 : i32
      %dma_wait3A_461 = arith.constant 0 : i32
      %dma_wait3A_462 = tpu.memref_slice %arg6[%dma_wait3A_459, %dma_wait3A_460, %dma_wait3A_461] : memref<2x1280x32xf32, #tpu.memory_space<vmem>> -> memref<1x1280x32xf32, #tpu.memory_space<vmem>>
      %dma_wait3A_463 = tpu.memref_squeeze %dma_wait3A_462 : memref<1x1280x32xf32, #tpu.memory_space<vmem>> -> memref<1280x32xf32, #tpu.memory_space<vmem>>
      %dma_wait3A_464 = arith.constant 768 : i32
      %dma_wait3A_465 = arith.constant 0 : i32
      %dma_wait3A_466 = tpu.memref_slice %dma_wait3A_463[%dma_wait3A_464, %dma_wait3A_465] : memref<1280x32xf32, #tpu.memory_space<vmem>> -> memref<128x32xf32, #tpu.memory_space<vmem>>
      %dma_wait3A_467 = arith.constant 0 : i32
      %dma_wait3A_468 = tpu.memref_slice %arg5[%add3A_121, %dma_wait3A_467] : memref<200x128xi32, #tpu.memory_space<vmem>> -> memref<1x128xi32, #tpu.memory_space<vmem>>
      %dma_wait3A_469 = tpu.memref_squeeze %dma_wait3A_468 : memref<1x128xi32, #tpu.memory_space<vmem>> -> memref<128xi32, #tpu.memory_space<vmem>>
      %dma_wait3A_470 = arith.constant 0 : i32
      %dma_wait3A_471 = arith.constant 0 : i32
      %dma_wait3A_472 = tpu.memref_slice %arg2[%dma_wait3A_470, %dma_wait3A_471] : memref<1000000x32xf32, #tpu.memory_space<hbm>> -> memref<1000000x32xf32, #tpu.memory_space<hbm>>
      tpu.wait_indirect_dma semaphore(%arg7 : memref<!tpu.dma_semaphore, #tpu.memory_space<semaphore_mem>>) src(%dma_wait3A_472 : memref<1000000x32xf32, #tpu.memory_space<hbm>>) dst(%dma_wait3A_466 : memref<128x32xf32, #tpu.memory_space<vmem>>)
      %dma_wait3A_473 = arith.constant 0 : i32
      %dma_wait3A_474 = arith.constant 0 : i32
      %dma_wait3A_475 = arith.constant 0 : i32
      %dma_wait3A_476 = tpu.memref_slice %arg6[%dma_wait3A_473, %dma_wait3A_474, %dma_wait3A_475] : memref<2x1280x32xf32, #tpu.memory_space<vmem>> -> memref<1x1280x32xf32, #tpu.memory_space<vmem>>
      %dma_wait3A_477 = tpu.memref_squeeze %dma_wait3A_476 : memref<1x1280x32xf32, #tpu.memory_space<vmem>> -> memref<1280x32xf32, #tpu.memory_space<vmem>>
      %dma_wait3A_478 = arith.constant 896 : i32
      %dma_wait3A_479 = arith.constant 0 : i32
      %dma_wait3A_480 = tpu.memref_slice %dma_wait3A_477[%dma_wait3A_478, %dma_wait3A_479] : memref<1280x32xf32, #tpu.memory_space<vmem>> -> memref<128x32xf32, #tpu.memory_space<vmem>>
      %dma_wait3A_481 = arith.constant 0 : i32
      %dma_wait3A_482 = tpu.memref_slice %arg5[%add3A_139, %dma_wait3A_481] : memref<200x128xi32, #tpu.memory_space<vmem>> -> memref<1x128xi32, #tpu.memory_space<vmem>>
      %dma_wait3A_483 = tpu.memref_squeeze %dma_wait3A_482 : memref<1x128xi32, #tpu.memory_space<vmem>> -> memref<128xi32, #tpu.memory_space<vmem>>
      %dma_wait3A_484 = arith.constant 0 : i32
      %dma_wait3A_485 = arith.constant 0 : i32
      %dma_wait3A_486 = tpu.memref_slice %arg2[%dma_wait3A_484, %dma_wait3A_485] : memref<1000000x32xf32, #tpu.memory_space<hbm>> -> memref<1000000x32xf32, #tpu.memory_space<hbm>>
      tpu.wait_indirect_dma semaphore(%arg7 : memref<!tpu.dma_semaphore, #tpu.memory_space<semaphore_mem>>) src(%dma_wait3A_486 : memref<1000000x32xf32, #tpu.memory_space<hbm>>) dst(%dma_wait3A_480 : memref<128x32xf32, #tpu.memory_space<vmem>>)
      %dma_wait3A_487 = arith.constant 0 : i32
      %dma_wait3A_488 = arith.constant 0 : i32
      %dma_wait3A_489 = arith.constant 0 : i32
      %dma_wait3A_490 = tpu.memref_slice %arg6[%dma_wait3A_487, %dma_wait3A_488, %dma_wait3A_489] : memref<2x1280x32xf32, #tpu.memory_space<vmem>> -> memref<1x1280x32xf32, #tpu.memory_space<vmem>>
      %dma_wait3A_491 = tpu.memref_squeeze %dma_wait3A_490 : memref<1x1280x32xf32, #tpu.memory_space<vmem>> -> memref<1280x32xf32, #tpu.memory_space<vmem>>
      %dma_wait3A_492 = arith.constant 1024 : i32
      %dma_wait3A_493 = arith.constant 0 : i32
      %dma_wait3A_494 = tpu.memref_slice %dma_wait3A_491[%dma_wait3A_492, %dma_wait3A_493] : memref<1280x32xf32, #tpu.memory_space<vmem>> -> memref<128x32xf32, #tpu.memory_space<vmem>>
      %dma_wait3A_495 = arith.constant 0 : i32
      %dma_wait3A_496 = tpu.memref_slice %arg5[%add3A_157, %dma_wait3A_495] : memref<200x128xi32, #tpu.memory_space<vmem>> -> memref<1x128xi32, #tpu.memory_space<vmem>>
      %dma_wait3A_497 = tpu.memref_squeeze %dma_wait3A_496 : memref<1x128xi32, #tpu.memory_space<vmem>> -> memref<128xi32, #tpu.memory_space<vmem>>
      %dma_wait3A_498 = arith.constant 0 : i32
      %dma_wait3A_499 = arith.constant 0 : i32
      %dma_wait3A_500 = tpu.memref_slice %arg2[%dma_wait3A_498, %dma_wait3A_499] : memref<1000000x32xf32, #tpu.memory_space<hbm>> -> memref<1000000x32xf32, #tpu.memory_space<hbm>>
      tpu.wait_indirect_dma semaphore(%arg7 : memref<!tpu.dma_semaphore, #tpu.memory_space<semaphore_mem>>) src(%dma_wait3A_500 : memref<1000000x32xf32, #tpu.memory_space<hbm>>) dst(%dma_wait3A_494 : memref<128x32xf32, #tpu.memory_space<vmem>>)
      %dma_wait3A_501 = arith.constant 0 : i32
      %dma_wait3A_502 = arith.constant 0 : i32
      %dma_wait3A_503 = arith.constant 0 : i32
      %dma_wait3A_504 = tpu.memref_slice %arg6[%dma_wait3A_501, %dma_wait3A_502, %dma_wait3A_503] : memref<2x1280x32xf32, #tpu.memory_space<vmem>> -> memref<1x1280x32xf32, #tpu.memory_space<vmem>>
      %dma_wait3A_505 = tpu.memref_squeeze %dma_wait3A_504 : memref<1x1280x32xf32, #tpu.memory_space<vmem>> -> memref<1280x32xf32, #tpu.memory_space<vmem>>
      %dma_wait3A_506 = arith.constant 1152 : i32
      %dma_wait3A_507 = arith.constant 0 : i32
      %dma_wait3A_508 = tpu.memref_slice %dma_wait3A_505[%dma_wait3A_506, %dma_wait3A_507] : memref<1280x32xf32, #tpu.memory_space<vmem>> -> memref<128x32xf32, #tpu.memory_space<vmem>>
      %dma_wait3A_509 = arith.constant 0 : i32
      %dma_wait3A_510 = tpu.memref_slice %arg5[%add3A_175, %dma_wait3A_509] : memref<200x128xi32, #tpu.memory_space<vmem>> -> memref<1x128xi32, #tpu.memory_space<vmem>>
      %dma_wait3A_511 = tpu.memref_squeeze %dma_wait3A_510 : memref<1x128xi32, #tpu.memory_space<vmem>> -> memref<128xi32, #tpu.memory_space<vmem>>
      %dma_wait3A_512 = arith.constant 0 : i32
      %dma_wait3A_513 = arith.constant 0 : i32
      %dma_wait3A_514 = tpu.memref_slice %arg2[%dma_wait3A_512, %dma_wait3A_513] : memref<1000000x32xf32, #tpu.memory_space<hbm>> -> memref<1000000x32xf32, #tpu.memory_space<hbm>>
      tpu.wait_indirect_dma semaphore(%arg7 : memref<!tpu.dma_semaphore, #tpu.memory_space<semaphore_mem>>) src(%dma_wait3A_514 : memref<1000000x32xf32, #tpu.memory_space<hbm>>) dst(%dma_wait3A_508 : memref<128x32xf32, #tpu.memory_space<vmem>>)
      %mul3A_515 = arith.constant 25600 : i32
      %mul3A_516 = arith.muli %add3A, %mul3A_515 : i32
      %mul3A_517 = arith.constant 1280 : i32
      %mul3A_518 = arith.muli %mul3A_375, %mul3A_517 : i32
      %add3A_519 = arith.addi %mul3A_516, %mul3A_518 : i32
      %dma_start3A_520 = arith.constant 0 : i32
      %dma_start3A_521 = arith.constant 0 : i32
      %dma_start3A_522 = arith.constant 0 : i32
      %dma_start3A_523 = tpu.memref_slice %arg6[%dma_start3A_520, %dma_start3A_521, %dma_start3A_522] : memref<2x1280x32xf32, #tpu.memory_space<vmem>> -> memref<1x1280x32xf32, #tpu.memory_space<vmem>>
      %dma_start3A_524 = tpu.memref_squeeze %dma_start3A_523 : memref<1x1280x32xf32, #tpu.memory_space<vmem>> -> memref<1280x32xf32, #tpu.memory_space<vmem>>
      %dma_start3A_525 = arith.constant 0 : i32
      %dma_start3A_526 = tpu.memref_slice %arg4[%add3A_519, %dma_start3A_525] : memref<819200x32xf32, #tpu.memory_space<hbm>> -> memref<1280x32xf32, #tpu.memory_space<hbm>>
      %dma_start3A_527 = arith.constant 0 : i32
      %dma_start3A_528 = tpu.memref_slice %arg4[%add3A_519, %dma_start3A_527] : memref<819200x32xf32, #tpu.memory_space<hbm>> -> memref<1280x32xf32, #tpu.memory_space<hbm>>
      %dma_start3A_529 = arith.constant 0 : i32
      %dma_start3A_530 = arith.constant 0 : i32
      %dma_start3A_531 = tpu.memref_slice %arg6[%dma_start3A_520, %dma_start3A_529, %dma_start3A_530] : memref<2x1280x32xf32, #tpu.memory_space<vmem>> -> memref<1x1280x32xf32, #tpu.memory_space<vmem>>
      %dma_start3A_532 = tpu.memref_squeeze %dma_start3A_531 : memref<1x1280x32xf32, #tpu.memory_space<vmem>> -> memref<1280x32xf32, #tpu.memory_space<vmem>>
      tpu.enqueue_dma source(%dma_start3A_532 : memref<1280x32xf32, #tpu.memory_space<vmem>>) target(%dma_start3A_528 : memref<1280x32xf32, #tpu.memory_space<hbm>>) target_semaphore(%arg8 : memref<!tpu.dma_semaphore, #tpu.memory_space<semaphore_mem>>)
      %mul3A_533 = arith.constant 2 : i32
      %mul3A_534 = arith.muli %mul3A_533, %scan3A_8 : i32
      %add3A_535 = arith.constant 1 : i32
      %add3A_536 = arith.addi %mul3A_534, %add3A_535 : i32
      %dma_wait3A_537 = arith.constant 1 : i32
      %dma_wait3A_538 = arith.constant 0 : i32
      %dma_wait3A_539 = arith.constant 0 : i32
      %dma_wait3A_540 = tpu.memref_slice %arg6[%dma_wait3A_537, %dma_wait3A_538, %dma_wait3A_539] : memref<2x1280x32xf32, #tpu.memory_space<vmem>> -> memref<1x1280x32xf32, #tpu.memory_space<vmem>>
      %dma_wait3A_541 = tpu.memref_squeeze %dma_wait3A_540 : memref<1x1280x32xf32, #tpu.memory_space<vmem>> -> memref<1280x32xf32, #tpu.memory_space<vmem>>
      %dma_wait3A_542 = arith.constant 0 : i32
      %dma_wait3A_543 = arith.constant 0 : i32
      %dma_wait3A_544 = tpu.memref_slice %dma_wait3A_541[%dma_wait3A_542, %dma_wait3A_543] : memref<1280x32xf32, #tpu.memory_space<vmem>> -> memref<128x32xf32, #tpu.memory_space<vmem>>
      %dma_wait3A_545 = arith.constant 0 : i32
      %dma_wait3A_546 = tpu.memref_slice %arg5[%add3A_197, %dma_wait3A_545] : memref<200x128xi32, #tpu.memory_space<vmem>> -> memref<1x128xi32, #tpu.memory_space<vmem>>
      %dma_wait3A_547 = tpu.memref_squeeze %dma_wait3A_546 : memref<1x128xi32, #tpu.memory_space<vmem>> -> memref<128xi32, #tpu.memory_space<vmem>>
      %dma_wait3A_548 = arith.constant 0 : i32
      %dma_wait3A_549 = arith.constant 0 : i32
      %dma_wait3A_550 = tpu.memref_slice %arg2[%dma_wait3A_548, %dma_wait3A_549] : memref<1000000x32xf32, #tpu.memory_space<hbm>> -> memref<1000000x32xf32, #tpu.memory_space<hbm>>
      tpu.wait_indirect_dma semaphore(%arg7 : memref<!tpu.dma_semaphore, #tpu.memory_space<semaphore_mem>>) src(%dma_wait3A_550 : memref<1000000x32xf32, #tpu.memory_space<hbm>>) dst(%dma_wait3A_544 : memref<128x32xf32, #tpu.memory_space<vmem>>)
      %dma_wait3A_551 = arith.constant 1 : i32
      %dma_wait3A_552 = arith.constant 0 : i32
      %dma_wait3A_553 = arith.constant 0 : i32
      %dma_wait3A_554 = tpu.memref_slice %arg6[%dma_wait3A_551, %dma_wait3A_552, %dma_wait3A_553] : memref<2x1280x32xf32, #tpu.memory_space<vmem>> -> memref<1x1280x32xf32, #tpu.memory_space<vmem>>
      %dma_wait3A_555 = tpu.memref_squeeze %dma_wait3A_554 : memref<1x1280x32xf32, #tpu.memory_space<vmem>> -> memref<1280x32xf32, #tpu.memory_space<vmem>>
      %dma_wait3A_556 = arith.constant 128 : i32
      %dma_wait3A_557 = arith.constant 0 : i32
      %dma_wait3A_558 = tpu.memref_slice %dma_wait3A_555[%dma_wait3A_556, %dma_wait3A_557] : memref<1280x32xf32, #tpu.memory_space<vmem>> -> memref<128x32xf32, #tpu.memory_space<vmem>>
      %dma_wait3A_559 = arith.constant 0 : i32
      %dma_wait3A_560 = tpu.memref_slice %arg5[%add3A_215, %dma_wait3A_559] : memref<200x128xi32, #tpu.memory_space<vmem>> -> memref<1x128xi32, #tpu.memory_space<vmem>>
      %dma_wait3A_561 = tpu.memref_squeeze %dma_wait3A_560 : memref<1x128xi32, #tpu.memory_space<vmem>> -> memref<128xi32, #tpu.memory_space<vmem>>
      %dma_wait3A_562 = arith.constant 0 : i32
      %dma_wait3A_563 = arith.constant 0 : i32
      %dma_wait3A_564 = tpu.memref_slice %arg2[%dma_wait3A_562, %dma_wait3A_563] : memref<1000000x32xf32, #tpu.memory_space<hbm>> -> memref<1000000x32xf32, #tpu.memory_space<hbm>>
      tpu.wait_indirect_dma semaphore(%arg7 : memref<!tpu.dma_semaphore, #tpu.memory_space<semaphore_mem>>) src(%dma_wait3A_564 : memref<1000000x32xf32, #tpu.memory_space<hbm>>) dst(%dma_wait3A_558 : memref<128x32xf32, #tpu.memory_space<vmem>>)
      %dma_wait3A_565 = arith.constant 1 : i32
      %dma_wait3A_566 = arith.constant 0 : i32
      %dma_wait3A_567 = arith.constant 0 : i32
      %dma_wait3A_568 = tpu.memref_slice %arg6[%dma_wait3A_565, %dma_wait3A_566, %dma_wait3A_567] : memref<2x1280x32xf32, #tpu.memory_space<vmem>> -> memref<1x1280x32xf32, #tpu.memory_space<vmem>>
      %dma_wait3A_569 = tpu.memref_squeeze %dma_wait3A_568 : memref<1x1280x32xf32, #tpu.memory_space<vmem>> -> memref<1280x32xf32, #tpu.memory_space<vmem>>
      %dma_wait3A_570 = arith.constant 256 : i32
      %dma_wait3A_571 = arith.constant 0 : i32
      %dma_wait3A_572 = tpu.memref_slice %dma_wait3A_569[%dma_wait3A_570, %dma_wait3A_571] : memref<1280x32xf32, #tpu.memory_space<vmem>> -> memref<128x32xf32, #tpu.memory_space<vmem>>
      %dma_wait3A_573 = arith.constant 0 : i32
      %dma_wait3A_574 = tpu.memref_slice %arg5[%add3A_233, %dma_wait3A_573] : memref<200x128xi32, #tpu.memory_space<vmem>> -> memref<1x128xi32, #tpu.memory_space<vmem>>
      %dma_wait3A_575 = tpu.memref_squeeze %dma_wait3A_574 : memref<1x128xi32, #tpu.memory_space<vmem>> -> memref<128xi32, #tpu.memory_space<vmem>>
      %dma_wait3A_576 = arith.constant 0 : i32
      %dma_wait3A_577 = arith.constant 0 : i32
      %dma_wait3A_578 = tpu.memref_slice %arg2[%dma_wait3A_576, %dma_wait3A_577] : memref<1000000x32xf32, #tpu.memory_space<hbm>> -> memref<1000000x32xf32, #tpu.memory_space<hbm>>
      tpu.wait_indirect_dma semaphore(%arg7 : memref<!tpu.dma_semaphore, #tpu.memory_space<semaphore_mem>>) src(%dma_wait3A_578 : memref<1000000x32xf32, #tpu.memory_space<hbm>>) dst(%dma_wait3A_572 : memref<128x32xf32, #tpu.memory_space<vmem>>)
      %dma_wait3A_579 = arith.constant 1 : i32
      %dma_wait3A_580 = arith.constant 0 : i32
      %dma_wait3A_581 = arith.constant 0 : i32
      %dma_wait3A_582 = tpu.memref_slice %arg6[%dma_wait3A_579, %dma_wait3A_580, %dma_wait3A_581] : memref<2x1280x32xf32, #tpu.memory_space<vmem>> -> memref<1x1280x32xf32, #tpu.memory_space<vmem>>
      %dma_wait3A_583 = tpu.memref_squeeze %dma_wait3A_582 : memref<1x1280x32xf32, #tpu.memory_space<vmem>> -> memref<1280x32xf32, #tpu.memory_space<vmem>>
      %dma_wait3A_584 = arith.constant 384 : i32
      %dma_wait3A_585 = arith.constant 0 : i32
      %dma_wait3A_586 = tpu.memref_slice %dma_wait3A_583[%dma_wait3A_584, %dma_wait3A_585] : memref<1280x32xf32, #tpu.memory_space<vmem>> -> memref<128x32xf32, #tpu.memory_space<vmem>>
      %dma_wait3A_587 = arith.constant 0 : i32
      %dma_wait3A_588 = tpu.memref_slice %arg5[%add3A_251, %dma_wait3A_587] : memref<200x128xi32, #tpu.memory_space<vmem>> -> memref<1x128xi32, #tpu.memory_space<vmem>>
      %dma_wait3A_589 = tpu.memref_squeeze %dma_wait3A_588 : memref<1x128xi32, #tpu.memory_space<vmem>> -> memref<128xi32, #tpu.memory_space<vmem>>
      %dma_wait3A_590 = arith.constant 0 : i32
      %dma_wait3A_591 = arith.constant 0 : i32
      %dma_wait3A_592 = tpu.memref_slice %arg2[%dma_wait3A_590, %dma_wait3A_591] : memref<1000000x32xf32, #tpu.memory_space<hbm>> -> memref<1000000x32xf32, #tpu.memory_space<hbm>>
      tpu.wait_indirect_dma semaphore(%arg7 : memref<!tpu.dma_semaphore, #tpu.memory_space<semaphore_mem>>) src(%dma_wait3A_592 : memref<1000000x32xf32, #tpu.memory_space<hbm>>) dst(%dma_wait3A_586 : memref<128x32xf32, #tpu.memory_space<vmem>>)
      %dma_wait3A_593 = arith.constant 1 : i32
      %dma_wait3A_594 = arith.constant 0 : i32
      %dma_wait3A_595 = arith.constant 0 : i32
      %dma_wait3A_596 = tpu.memref_slice %arg6[%dma_wait3A_593, %dma_wait3A_594, %dma_wait3A_595] : memref<2x1280x32xf32, #tpu.memory_space<vmem>> -> memref<1x1280x32xf32, #tpu.memory_space<vmem>>
      %dma_wait3A_597 = tpu.memref_squeeze %dma_wait3A_596 : memref<1x1280x32xf32, #tpu.memory_space<vmem>> -> memref<1280x32xf32, #tpu.memory_space<vmem>>
      %dma_wait3A_598 = arith.constant 512 : i32
      %dma_wait3A_599 = arith.constant 0 : i32
      %dma_wait3A_600 = tpu.memref_slice %dma_wait3A_597[%dma_wait3A_598, %dma_wait3A_599] : memref<1280x32xf32, #tpu.memory_space<vmem>> -> memref<128x32xf32, #tpu.memory_space<vmem>>
      %dma_wait3A_601 = arith.constant 0 : i32
      %dma_wait3A_602 = tpu.memref_slice %arg5[%add3A_269, %dma_wait3A_601] : memref<200x128xi32, #tpu.memory_space<vmem>> -> memref<1x128xi32, #tpu.memory_space<vmem>>
      %dma_wait3A_603 = tpu.memref_squeeze %dma_wait3A_602 : memref<1x128xi32, #tpu.memory_space<vmem>> -> memref<128xi32, #tpu.memory_space<vmem>>
      %dma_wait3A_604 = arith.constant 0 : i32
      %dma_wait3A_605 = arith.constant 0 : i32
      %dma_wait3A_606 = tpu.memref_slice %arg2[%dma_wait3A_604, %dma_wait3A_605] : memref<1000000x32xf32, #tpu.memory_space<hbm>> -> memref<1000000x32xf32, #tpu.memory_space<hbm>>
      tpu.wait_indirect_dma semaphore(%arg7 : memref<!tpu.dma_semaphore, #tpu.memory_space<semaphore_mem>>) src(%dma_wait3A_606 : memref<1000000x32xf32, #tpu.memory_space<hbm>>) dst(%dma_wait3A_600 : memref<128x32xf32, #tpu.memory_space<vmem>>)
      %dma_wait3A_607 = arith.constant 1 : i32
      %dma_wait3A_608 = arith.constant 0 : i32
      %dma_wait3A_609 = arith.constant 0 : i32
      %dma_wait3A_610 = tpu.memref_slice %arg6[%dma_wait3A_607, %dma_wait3A_608, %dma_wait3A_609] : memref<2x1280x32xf32, #tpu.memory_space<vmem>> -> memref<1x1280x32xf32, #tpu.memory_space<vmem>>
      %dma_wait3A_611 = tpu.memref_squeeze %dma_wait3A_610 : memref<1x1280x32xf32, #tpu.memory_space<vmem>> -> memref<1280x32xf32, #tpu.memory_space<vmem>>
      %dma_wait3A_612 = arith.constant 640 : i32
      %dma_wait3A_613 = arith.constant 0 : i32
      %dma_wait3A_614 = tpu.memref_slice %dma_wait3A_611[%dma_wait3A_612, %dma_wait3A_613] : memref<1280x32xf32, #tpu.memory_space<vmem>> -> memref<128x32xf32, #tpu.memory_space<vmem>>
      %dma_wait3A_615 = arith.constant 0 : i32
      %dma_wait3A_616 = tpu.memref_slice %arg5[%add3A_287, %dma_wait3A_615] : memref<200x128xi32, #tpu.memory_space<vmem>> -> memref<1x128xi32, #tpu.memory_space<vmem>>
      %dma_wait3A_617 = tpu.memref_squeeze %dma_wait3A_616 : memref<1x128xi32, #tpu.memory_space<vmem>> -> memref<128xi32, #tpu.memory_space<vmem>>
      %dma_wait3A_618 = arith.constant 0 : i32
      %dma_wait3A_619 = arith.constant 0 : i32
      %dma_wait3A_620 = tpu.memref_slice %arg2[%dma_wait3A_618, %dma_wait3A_619] : memref<1000000x32xf32, #tpu.memory_space<hbm>> -> memref<1000000x32xf32, #tpu.memory_space<hbm>>
      tpu.wait_indirect_dma semaphore(%arg7 : memref<!tpu.dma_semaphore, #tpu.memory_space<semaphore_mem>>) src(%dma_wait3A_620 : memref<1000000x32xf32, #tpu.memory_space<hbm>>) dst(%dma_wait3A_614 : memref<128x32xf32, #tpu.memory_space<vmem>>)
      %dma_wait3A_621 = arith.constant 1 : i32
      %dma_wait3A_622 = arith.constant 0 : i32
      %dma_wait3A_623 = arith.constant 0 : i32
      %dma_wait3A_624 = tpu.memref_slice %arg6[%dma_wait3A_621, %dma_wait3A_622, %dma_wait3A_623] : memref<2x1280x32xf32, #tpu.memory_space<vmem>> -> memref<1x1280x32xf32, #tpu.memory_space<vmem>>
      %dma_wait3A_625 = tpu.memref_squeeze %dma_wait3A_624 : memref<1x1280x32xf32, #tpu.memory_space<vmem>> -> memref<1280x32xf32, #tpu.memory_space<vmem>>
      %dma_wait3A_626 = arith.constant 768 : i32
      %dma_wait3A_627 = arith.constant 0 : i32
      %dma_wait3A_628 = tpu.memref_slice %dma_wait3A_625[%dma_wait3A_626, %dma_wait3A_627] : memref<1280x32xf32, #tpu.memory_space<vmem>> -> memref<128x32xf32, #tpu.memory_space<vmem>>
      %dma_wait3A_629 = arith.constant 0 : i32
      %dma_wait3A_630 = tpu.memref_slice %arg5[%add3A_305, %dma_wait3A_629] : memref<200x128xi32, #tpu.memory_space<vmem>> -> memref<1x128xi32, #tpu.memory_space<vmem>>
      %dma_wait3A_631 = tpu.memref_squeeze %dma_wait3A_630 : memref<1x128xi32, #tpu.memory_space<vmem>> -> memref<128xi32, #tpu.memory_space<vmem>>
      %dma_wait3A_632 = arith.constant 0 : i32
      %dma_wait3A_633 = arith.constant 0 : i32
      %dma_wait3A_634 = tpu.memref_slice %arg2[%dma_wait3A_632, %dma_wait3A_633] : memref<1000000x32xf32, #tpu.memory_space<hbm>> -> memref<1000000x32xf32, #tpu.memory_space<hbm>>
      tpu.wait_indirect_dma semaphore(%arg7 : memref<!tpu.dma_semaphore, #tpu.memory_space<semaphore_mem>>) src(%dma_wait3A_634 : memref<1000000x32xf32, #tpu.memory_space<hbm>>) dst(%dma_wait3A_628 : memref<128x32xf32, #tpu.memory_space<vmem>>)
      %dma_wait3A_635 = arith.constant 1 : i32
      %dma_wait3A_636 = arith.constant 0 : i32
      %dma_wait3A_637 = arith.constant 0 : i32
      %dma_wait3A_638 = tpu.memref_slice %arg6[%dma_wait3A_635, %dma_wait3A_636, %dma_wait3A_637] : memref<2x1280x32xf32, #tpu.memory_space<vmem>> -> memref<1x1280x32xf32, #tpu.memory_space<vmem>>
      %dma_wait3A_639 = tpu.memref_squeeze %dma_wait3A_638 : memref<1x1280x32xf32, #tpu.memory_space<vmem>> -> memref<1280x32xf32, #tpu.memory_space<vmem>>
      %dma_wait3A_640 = arith.constant 896 : i32
      %dma_wait3A_641 = arith.constant 0 : i32
      %dma_wait3A_642 = tpu.memref_slice %dma_wait3A_639[%dma_wait3A_640, %dma_wait3A_641] : memref<1280x32xf32, #tpu.memory_space<vmem>> -> memref<128x32xf32, #tpu.memory_space<vmem>>
      %dma_wait3A_643 = arith.constant 0 : i32
      %dma_wait3A_644 = tpu.memref_slice %arg5[%add3A_323, %dma_wait3A_643] : memref<200x128xi32, #tpu.memory_space<vmem>> -> memref<1x128xi32, #tpu.memory_space<vmem>>
      %dma_wait3A_645 = tpu.memref_squeeze %dma_wait3A_644 : memref<1x128xi32, #tpu.memory_space<vmem>> -> memref<128xi32, #tpu.memory_space<vmem>>
      %dma_wait3A_646 = arith.constant 0 : i32
      %dma_wait3A_647 = arith.constant 0 : i32
      %dma_wait3A_648 = tpu.memref_slice %arg2[%dma_wait3A_646, %dma_wait3A_647] : memref<1000000x32xf32, #tpu.memory_space<hbm>> -> memref<1000000x32xf32, #tpu.memory_space<hbm>>
      tpu.wait_indirect_dma semaphore(%arg7 : memref<!tpu.dma_semaphore, #tpu.memory_space<semaphore_mem>>) src(%dma_wait3A_648 : memref<1000000x32xf32, #tpu.memory_space<hbm>>) dst(%dma_wait3A_642 : memref<128x32xf32, #tpu.memory_space<vmem>>)
      %dma_wait3A_649 = arith.constant 1 : i32
      %dma_wait3A_650 = arith.constant 0 : i32
      %dma_wait3A_651 = arith.constant 0 : i32
      %dma_wait3A_652 = tpu.memref_slice %arg6[%dma_wait3A_649, %dma_wait3A_650, %dma_wait3A_651] : memref<2x1280x32xf32, #tpu.memory_space<vmem>> -> memref<1x1280x32xf32, #tpu.memory_space<vmem>>
      %dma_wait3A_653 = tpu.memref_squeeze %dma_wait3A_652 : memref<1x1280x32xf32, #tpu.memory_space<vmem>> -> memref<1280x32xf32, #tpu.memory_space<vmem>>
      %dma_wait3A_654 = arith.constant 1024 : i32
      %dma_wait3A_655 = arith.constant 0 : i32
      %dma_wait3A_656 = tpu.memref_slice %dma_wait3A_653[%dma_wait3A_654, %dma_wait3A_655] : memref<1280x32xf32, #tpu.memory_space<vmem>> -> memref<128x32xf32, #tpu.memory_space<vmem>>
      %dma_wait3A_657 = arith.constant 0 : i32
      %dma_wait3A_658 = tpu.memref_slice %arg5[%add3A_341, %dma_wait3A_657] : memref<200x128xi32, #tpu.memory_space<vmem>> -> memref<1x128xi32, #tpu.memory_space<vmem>>
      %dma_wait3A_659 = tpu.memref_squeeze %dma_wait3A_658 : memref<1x128xi32, #tpu.memory_space<vmem>> -> memref<128xi32, #tpu.memory_space<vmem>>
      %dma_wait3A_660 = arith.constant 0 : i32
      %dma_wait3A_661 = arith.constant 0 : i32
      %dma_wait3A_662 = tpu.memref_slice %arg2[%dma_wait3A_660, %dma_wait3A_661] : memref<1000000x32xf32, #tpu.memory_space<hbm>> -> memref<1000000x32xf32, #tpu.memory_space<hbm>>
      tpu.wait_indirect_dma semaphore(%arg7 : memref<!tpu.dma_semaphore, #tpu.memory_space<semaphore_mem>>) src(%dma_wait3A_662 : memref<1000000x32xf32, #tpu.memory_space<hbm>>) dst(%dma_wait3A_656 : memref<128x32xf32, #tpu.memory_space<vmem>>)
      %dma_wait3A_663 = arith.constant 1 : i32
      %dma_wait3A_664 = arith.constant 0 : i32
      %dma_wait3A_665 = arith.constant 0 : i32
      %dma_wait3A_666 = tpu.memref_slice %arg6[%dma_wait3A_663, %dma_wait3A_664, %dma_wait3A_665] : memref<2x1280x32xf32, #tpu.memory_space<vmem>> -> memref<1x1280x32xf32, #tpu.memory_space<vmem>>
      %dma_wait3A_667 = tpu.memref_squeeze %dma_wait3A_666 : memref<1x1280x32xf32, #tpu.memory_space<vmem>> -> memref<1280x32xf32, #tpu.memory_space<vmem>>
      %dma_wait3A_668 = arith.constant 1152 : i32
      %dma_wait3A_669 = arith.constant 0 : i32
      %dma_wait3A_670 = tpu.memref_slice %dma_wait3A_667[%dma_wait3A_668, %dma_wait3A_669] : memref<1280x32xf32, #tpu.memory_space<vmem>> -> memref<128x32xf32, #tpu.memory_space<vmem>>
      %dma_wait3A_671 = arith.constant 0 : i32
      %dma_wait3A_672 = tpu.memref_slice %arg5[%add3A_359, %dma_wait3A_671] : memref<200x128xi32, #tpu.memory_space<vmem>> -> memref<1x128xi32, #tpu.memory_space<vmem>>
      %dma_wait3A_673 = tpu.memref_squeeze %dma_wait3A_672 : memref<1x128xi32, #tpu.memory_space<vmem>> -> memref<128xi32, #tpu.memory_space<vmem>>
      %dma_wait3A_674 = arith.constant 0 : i32
      %dma_wait3A_675 = arith.constant 0 : i32
      %dma_wait3A_676 = tpu.memref_slice %arg2[%dma_wait3A_674, %dma_wait3A_675] : memref<1000000x32xf32, #tpu.memory_space<hbm>> -> memref<1000000x32xf32, #tpu.memory_space<hbm>>
      tpu.wait_indirect_dma semaphore(%arg7 : memref<!tpu.dma_semaphore, #tpu.memory_space<semaphore_mem>>) src(%dma_wait3A_676 : memref<1000000x32xf32, #tpu.memory_space<hbm>>) dst(%dma_wait3A_670 : memref<128x32xf32, #tpu.memory_space<vmem>>)
      %mul3A_677 = arith.constant 25600 : i32
      %mul3A_678 = arith.muli %add3A, %mul3A_677 : i32
      %mul3A_679 = arith.constant 1280 : i32
      %mul3A_680 = arith.muli %add3A_536, %mul3A_679 : i32
      %add3A_681 = arith.addi %mul3A_678, %mul3A_680 : i32
      %dma_start3A_682 = arith.constant 1 : i32
      %dma_start3A_683 = arith.constant 0 : i32
      %dma_start3A_684 = arith.constant 0 : i32
      %dma_start3A_685 = tpu.memref_slice %arg6[%dma_start3A_682, %dma_start3A_683, %dma_start3A_684] : memref<2x1280x32xf32, #tpu.memory_space<vmem>> -> memref<1x1280x32xf32, #tpu.memory_space<vmem>>
      %dma_start3A_686 = tpu.memref_squeeze %dma_start3A_685 : memref<1x1280x32xf32, #tpu.memory_space<vmem>> -> memref<1280x32xf32, #tpu.memory_space<vmem>>
      %dma_start3A_687 = arith.constant 0 : i32
      %dma_start3A_688 = tpu.memref_slice %arg4[%add3A_681, %dma_start3A_687] : memref<819200x32xf32, #tpu.memory_space<hbm>> -> memref<1280x32xf32, #tpu.memory_space<hbm>>
      %dma_start3A_689 = arith.constant 0 : i32
      %dma_start3A_690 = tpu.memref_slice %arg4[%add3A_681, %dma_start3A_689] : memref<819200x32xf32, #tpu.memory_space<hbm>> -> memref<1280x32xf32, #tpu.memory_space<hbm>>
      %dma_start3A_691 = arith.constant 0 : i32
      %dma_start3A_692 = arith.constant 0 : i32
      %dma_start3A_693 = tpu.memref_slice %arg6[%dma_start3A_682, %dma_start3A_691, %dma_start3A_692] : memref<2x1280x32xf32, #tpu.memory_space<vmem>> -> memref<1x1280x32xf32, #tpu.memory_space<vmem>>
      %dma_start3A_694 = tpu.memref_squeeze %dma_start3A_693 : memref<1x1280x32xf32, #tpu.memory_space<vmem>> -> memref<1280x32xf32, #tpu.memory_space<vmem>>
      tpu.enqueue_dma source(%dma_start3A_694 : memref<1280x32xf32, #tpu.memory_space<vmem>>) target(%dma_start3A_690 : memref<1280x32xf32, #tpu.memory_space<hbm>>) target_semaphore(%arg8 : memref<!tpu.dma_semaphore, #tpu.memory_space<semaphore_mem>>)
      %dma_wait3A_695 = arith.constant 0 : i32
      %dma_wait3A_696 = arith.constant 0 : i32
      %dma_wait3A_697 = arith.constant 0 : i32
      %dma_wait3A_698 = tpu.memref_slice %arg6[%dma_wait3A_695, %dma_wait3A_696, %dma_wait3A_697] : memref<2x1280x32xf32, #tpu.memory_space<vmem>> -> memref<1x1280x32xf32, #tpu.memory_space<vmem>>
      %dma_wait3A_699 = tpu.memref_squeeze %dma_wait3A_698 : memref<1x1280x32xf32, #tpu.memory_space<vmem>> -> memref<1280x32xf32, #tpu.memory_space<vmem>>
      %dma_wait3A_700 = arith.constant 0 : i32
      %dma_wait3A_701 = tpu.memref_slice %arg4[%add3A_519, %dma_wait3A_700] : memref<819200x32xf32, #tpu.memory_space<hbm>> -> memref<1280x32xf32, #tpu.memory_space<hbm>>
      %dma_wait3A_702 = arith.constant 0 : i32
      %dma_wait3A_703 = tpu.memref_slice %arg4[%add3A_519, %dma_wait3A_702] : memref<819200x32xf32, #tpu.memory_space<hbm>> -> memref<1280x32xf32, #tpu.memory_space<hbm>>
      %dma_wait3A_704 = arith.constant 0 : i32
      %dma_wait3A_705 = arith.constant 0 : i32
      %dma_wait3A_706 = tpu.memref_slice %arg6[%dma_wait3A_695, %dma_wait3A_704, %dma_wait3A_705] : memref<2x1280x32xf32, #tpu.memory_space<vmem>> -> memref<1x1280x32xf32, #tpu.memory_space<vmem>>
      %dma_wait3A_707 = tpu.memref_squeeze %dma_wait3A_706 : memref<1x1280x32xf32, #tpu.memory_space<vmem>> -> memref<1280x32xf32, #tpu.memory_space<vmem>>
      tpu.wait_dma2 semaphore(%arg8 : memref<!tpu.dma_semaphore, #tpu.memory_space<semaphore_mem>>) src(%dma_wait3A_707 : memref<1280x32xf32, #tpu.memory_space<vmem>>) dst(%dma_wait3A_703 : memref<1280x32xf32, #tpu.memory_space<hbm>>)
      %dma_wait3A_708 = arith.constant 1 : i32
      %dma_wait3A_709 = arith.constant 0 : i32
      %dma_wait3A_710 = arith.constant 0 : i32
      %dma_wait3A_711 = tpu.memref_slice %arg6[%dma_wait3A_708, %dma_wait3A_709, %dma_wait3A_710] : memref<2x1280x32xf32, #tpu.memory_space<vmem>> -> memref<1x1280x32xf32, #tpu.memory_space<vmem>>
      %dma_wait3A_712 = tpu.memref_squeeze %dma_wait3A_711 : memref<1x1280x32xf32, #tpu.memory_space<vmem>> -> memref<1280x32xf32, #tpu.memory_space<vmem>>
      %dma_wait3A_713 = arith.constant 0 : i32
      %dma_wait3A_714 = tpu.memref_slice %arg4[%add3A_681, %dma_wait3A_713] : memref<819200x32xf32, #tpu.memory_space<hbm>> -> memref<1280x32xf32, #tpu.memory_space<hbm>>
      %dma_wait3A_715 = arith.constant 0 : i32
      %dma_wait3A_716 = tpu.memref_slice %arg4[%add3A_681, %dma_wait3A_715] : memref<819200x32xf32, #tpu.memory_space<hbm>> -> memref<1280x32xf32, #tpu.memory_space<hbm>>
      %dma_wait3A_717 = arith.constant 0 : i32
      %dma_wait3A_718 = arith.constant 0 : i32
      %dma_wait3A_719 = tpu.memref_slice %arg6[%dma_wait3A_708, %dma_wait3A_717, %dma_wait3A_718] : memref<2x1280x32xf32, #tpu.memory_space<vmem>> -> memref<1x1280x32xf32, #tpu.memory_space<vmem>>
      %dma_wait3A_720 = tpu.memref_squeeze %dma_wait3A_719 : memref<1x1280x32xf32, #tpu.memory_space<vmem>> -> memref<1280x32xf32, #tpu.memory_space<vmem>>
      tpu.wait_dma2 semaphore(%arg8 : memref<!tpu.dma_semaphore, #tpu.memory_space<semaphore_mem>>) src(%dma_wait3A_720 : memref<1280x32xf32, #tpu.memory_space<vmem>>) dst(%dma_wait3A_716 : memref<1280x32xf32, #tpu.memory_space<hbm>>)
    }
    %scan3A_7 = arith.constant 10 : i32
    return
  }
}

module attributes {stable_mosaic.version = 14 : i64} {
  func.func @_noise_add_body(%arg0: i32, %arg1: memref<8x32x4096xf32, #tpu.memory_space<vmem>>, %arg2: memref<8x32x4096xf32, #tpu.memory_space<vmem>>) attributes {dimension_semantics = [#tpu.dimension_semantics<arbitrary>], iteration_bounds = array<i64: 25>, scalar_prefetch = 0 : i64, scratch_operands = 0 : i64, tpu.core_type = #tpu.core_type<tc>, window_params = [{transform_indices = @transform_0, window_bounds = array<i64: 8, 32, 4096>}, {transform_indices = @transform_1, window_bounds = array<i64: 8, 32, 4096>}]} {
    %iota3A = tpu.iota {dimensions = array<i32: 0>} : vector<8x32x4096xi32>
    %mul3A = arith.constant 8 : i32
    %mul3A_0 = arith.muli %arg0, %mul3A : i32
    %add3A = vector.broadcast %mul3A_0 : i32 to vector<8x32x4096xi32>
    %add3A_1 = arith.addi %iota3A, %add3A : vector<8x32x4096xi32>
    %iota3A_2 = tpu.iota {dimensions = array<i32: 1>} : vector<8x32x4096xi32>
    %iota3A_3 = tpu.iota {dimensions = array<i32: 2>} : vector<8x32x4096xi32>
    %mul3A_4 = arith.constant 6400 : i32
    %mul3A_5 = vector.broadcast %mul3A_4 : i32 to vector<8x32x4096xi32>
    %mul3A_6 = arith.muli %iota3A_3, %mul3A_5 : vector<8x32x4096xi32>
    %mul3A_7 = arith.constant 32 : i32
    %mul3A_8 = vector.broadcast %mul3A_7 : i32 to vector<8x32x4096xi32>
    %mul3A_9 = arith.muli %add3A_1, %mul3A_8 : vector<8x32x4096xi32>
    %add3A_10 = arith.addi %mul3A_6, %mul3A_9 : vector<8x32x4096xi32>
    %add3A_11 = arith.addi %add3A_10, %iota3A_2 : vector<8x32x4096xi32>
    %broadcast_in_dim3A = arith.constant 0 : i32
    %broadcast_in_dim3A_12 = vector.broadcast %broadcast_in_dim3A : i32 to vector<8x32x4096xi32>
    %add3A_13 = arith.constant 0 : i32
    %add3A_14 = vector.broadcast %add3A_13 : i32 to vector<8x32x4096xi32>
    %add3A_15 = arith.addi %broadcast_in_dim3A_12, %add3A_14 : vector<8x32x4096xi32>
    %add3A_16 = arith.constant 1234 : i32
    %add3A_17 = vector.broadcast %add3A_16 : i32 to vector<8x32x4096xi32>
    %add3A_18 = arith.addi %add3A_11, %add3A_17 : vector<8x32x4096xi32>
    %add3A_19 = arith.addi %add3A_15, %add3A_18 : vector<8x32x4096xi32>
    %shift_left3A = arith.constant 13 : i32
    %shift_left3A_20 = vector.broadcast %shift_left3A : i32 to vector<8x32x4096xi32>
    %shift_left3A_21 = arith.shli %add3A_18, %shift_left3A_20 : vector<8x32x4096xi32>
    %shift_right_logical3A = arith.constant 19 : i32
    %shift_right_logical3A_22 = vector.broadcast %shift_right_logical3A : i32 to vector<8x32x4096xi32>
    %shift_right_logical3A_23 = arith.shrui %add3A_18, %shift_right_logical3A_22 : vector<8x32x4096xi32>
    %or3A = arith.ori %shift_left3A_21, %shift_right_logical3A_23 : vector<8x32x4096xi32>
    %xor3A = arith.xori %add3A_19, %or3A : vector<8x32x4096xi32>
    %add3A_24 = arith.addi %add3A_19, %xor3A : vector<8x32x4096xi32>
    %shift_left3A_25 = arith.constant 15 : i32
    %shift_left3A_26 = vector.broadcast %shift_left3A_25 : i32 to vector<8x32x4096xi32>
    %shift_left3A_27 = arith.shli %xor3A, %shift_left3A_26 : vector<8x32x4096xi32>
    %shift_right_logical3A_28 = arith.constant 17 : i32
    %shift_right_logical3A_29 = vector.broadcast %shift_right_logical3A_28 : i32 to vector<8x32x4096xi32>
    %shift_right_logical3A_30 = arith.shrui %xor3A, %shift_right_logical3A_29 : vector<8x32x4096xi32>
    %or3A_31 = arith.ori %shift_left3A_27, %shift_right_logical3A_30 : vector<8x32x4096xi32>
    %xor3A_32 = arith.xori %add3A_24, %or3A_31 : vector<8x32x4096xi32>
    %add3A_33 = arith.addi %add3A_24, %xor3A_32 : vector<8x32x4096xi32>
    %shift_left3A_34 = arith.constant 26 : i32
    %shift_left3A_35 = vector.broadcast %shift_left3A_34 : i32 to vector<8x32x4096xi32>
    %shift_left3A_36 = arith.shli %xor3A_32, %shift_left3A_35 : vector<8x32x4096xi32>
    %shift_right_logical3A_37 = arith.constant 6 : i32
    %shift_right_logical3A_38 = vector.broadcast %shift_right_logical3A_37 : i32 to vector<8x32x4096xi32>
    %shift_right_logical3A_39 = arith.shrui %xor3A_32, %shift_right_logical3A_38 : vector<8x32x4096xi32>
    %or3A_40 = arith.ori %shift_left3A_36, %shift_right_logical3A_39 : vector<8x32x4096xi32>
    %xor3A_41 = arith.xori %add3A_33, %or3A_40 : vector<8x32x4096xi32>
    %add3A_42 = arith.addi %add3A_33, %xor3A_41 : vector<8x32x4096xi32>
    %shift_left3A_43 = arith.constant 6 : i32
    %shift_left3A_44 = vector.broadcast %shift_left3A_43 : i32 to vector<8x32x4096xi32>
    %shift_left3A_45 = arith.shli %xor3A_41, %shift_left3A_44 : vector<8x32x4096xi32>
    %shift_right_logical3A_46 = arith.constant 26 : i32
    %shift_right_logical3A_47 = vector.broadcast %shift_right_logical3A_46 : i32 to vector<8x32x4096xi32>
    %shift_right_logical3A_48 = arith.shrui %xor3A_41, %shift_right_logical3A_47 : vector<8x32x4096xi32>
    %or3A_49 = arith.ori %shift_left3A_45, %shift_right_logical3A_48 : vector<8x32x4096xi32>
    %xor3A_50 = arith.xori %add3A_42, %or3A_49 : vector<8x32x4096xi32>
    %add3A_51 = arith.constant 1234 : i32
    %add3A_52 = vector.broadcast %add3A_51 : i32 to vector<8x32x4096xi32>
    %add3A_53 = arith.addi %add3A_42, %add3A_52 : vector<8x32x4096xi32>
    %add3A_54 = arith.constant 466689800 : i32
    %add3A_55 = vector.broadcast %add3A_54 : i32 to vector<8x32x4096xi32>
    %add3A_56 = arith.addi %xor3A_50, %add3A_55 : vector<8x32x4096xi32>
    %add3A_57 = arith.constant 1 : i32
    %add3A_58 = vector.broadcast %add3A_57 : i32 to vector<8x32x4096xi32>
    %add3A_59 = arith.addi %add3A_56, %add3A_58 : vector<8x32x4096xi32>
    %add3A_60 = arith.addi %add3A_53, %add3A_59 : vector<8x32x4096xi32>
    %shift_left3A_61 = arith.constant 17 : i32
    %shift_left3A_62 = vector.broadcast %shift_left3A_61 : i32 to vector<8x32x4096xi32>
    %shift_left3A_63 = arith.shli %add3A_59, %shift_left3A_62 : vector<8x32x4096xi32>
    %shift_right_logical3A_64 = arith.constant 15 : i32
    %shift_right_logical3A_65 = vector.broadcast %shift_right_logical3A_64 : i32 to vector<8x32x4096xi32>
    %shift_right_logical3A_66 = arith.shrui %add3A_59, %shift_right_logical3A_65 : vector<8x32x4096xi32>
    %or3A_67 = arith.ori %shift_left3A_63, %shift_right_logical3A_66 : vector<8x32x4096xi32>
    %xor3A_68 = arith.xori %add3A_60, %or3A_67 : vector<8x32x4096xi32>
    %add3A_69 = arith.addi %add3A_60, %xor3A_68 : vector<8x32x4096xi32>
    %shift_left3A_70 = arith.constant 29 : i32
    %shift_left3A_71 = vector.broadcast %shift_left3A_70 : i32 to vector<8x32x4096xi32>
    %shift_left3A_72 = arith.shli %xor3A_68, %shift_left3A_71 : vector<8x32x4096xi32>
    %shift_right_logical3A_73 = arith.constant 3 : i32
    %shift_right_logical3A_74 = vector.broadcast %shift_right_logical3A_73 : i32 to vector<8x32x4096xi32>
    %shift_right_logical3A_75 = arith.shrui %xor3A_68, %shift_right_logical3A_74 : vector<8x32x4096xi32>
    %or3A_76 = arith.ori %shift_left3A_72, %shift_right_logical3A_75 : vector<8x32x4096xi32>
    %xor3A_77 = arith.xori %add3A_69, %or3A_76 : vector<8x32x4096xi32>
    %add3A_78 = arith.addi %add3A_69, %xor3A_77 : vector<8x32x4096xi32>
    %shift_left3A_79 = arith.constant 16 : i32
    %shift_left3A_80 = vector.broadcast %shift_left3A_79 : i32 to vector<8x32x4096xi32>
    %shift_left3A_81 = arith.shli %xor3A_77, %shift_left3A_80 : vector<8x32x4096xi32>
    %shift_right_logical3A_82 = arith.constant 16 : i32
    %shift_right_logical3A_83 = vector.broadcast %shift_right_logical3A_82 : i32 to vector<8x32x4096xi32>
    %shift_right_logical3A_84 = arith.shrui %xor3A_77, %shift_right_logical3A_83 : vector<8x32x4096xi32>
    %or3A_85 = arith.ori %shift_left3A_81, %shift_right_logical3A_84 : vector<8x32x4096xi32>
    %xor3A_86 = arith.xori %add3A_78, %or3A_85 : vector<8x32x4096xi32>
    %add3A_87 = arith.addi %add3A_78, %xor3A_86 : vector<8x32x4096xi32>
    %shift_left3A_88 = arith.constant 24 : i32
    %shift_left3A_89 = vector.broadcast %shift_left3A_88 : i32 to vector<8x32x4096xi32>
    %shift_left3A_90 = arith.shli %xor3A_86, %shift_left3A_89 : vector<8x32x4096xi32>
    %shift_right_logical3A_91 = arith.constant 8 : i32
    %shift_right_logical3A_92 = vector.broadcast %shift_right_logical3A_91 : i32 to vector<8x32x4096xi32>
    %shift_right_logical3A_93 = arith.shrui %xor3A_86, %shift_right_logical3A_92 : vector<8x32x4096xi32>
    %or3A_94 = arith.ori %shift_left3A_90, %shift_right_logical3A_93 : vector<8x32x4096xi32>
    %xor3A_95 = arith.xori %add3A_87, %or3A_94 : vector<8x32x4096xi32>
    %add3A_96 = arith.constant 466689800 : i32
    %add3A_97 = vector.broadcast %add3A_96 : i32 to vector<8x32x4096xi32>
    %add3A_98 = arith.addi %add3A_87, %add3A_97 : vector<8x32x4096xi32>
    %add3A_99 = arith.constant 0 : i32
    %add3A_100 = vector.broadcast %add3A_99 : i32 to vector<8x32x4096xi32>
    %add3A_101 = arith.addi %xor3A_95, %add3A_100 : vector<8x32x4096xi32>
    %add3A_102 = arith.constant 2 : i32
    %add3A_103 = vector.broadcast %add3A_102 : i32 to vector<8x32x4096xi32>
    %add3A_104 = arith.addi %add3A_101, %add3A_103 : vector<8x32x4096xi32>
    %add3A_105 = arith.addi %add3A_98, %add3A_104 : vector<8x32x4096xi32>
    %shift_left3A_106 = arith.constant 13 : i32
    %shift_left3A_107 = vector.broadcast %shift_left3A_106 : i32 to vector<8x32x4096xi32>
    %shift_left3A_108 = arith.shli %add3A_104, %shift_left3A_107 : vector<8x32x4096xi32>
    %shift_right_logical3A_109 = arith.constant 19 : i32
    %shift_right_logical3A_110 = vector.broadcast %shift_right_logical3A_109 : i32 to vector<8x32x4096xi32>
    %shift_right_logical3A_111 = arith.shrui %add3A_104, %shift_right_logical3A_110 : vector<8x32x4096xi32>
    %or3A_112 = arith.ori %shift_left3A_108, %shift_right_logical3A_111 : vector<8x32x4096xi32>
    %xor3A_113 = arith.xori %add3A_105, %or3A_112 : vector<8x32x4096xi32>
    %add3A_114 = arith.addi %add3A_105, %xor3A_113 : vector<8x32x4096xi32>
    %shift_left3A_115 = arith.constant 15 : i32
    %shift_left3A_116 = vector.broadcast %shift_left3A_115 : i32 to vector<8x32x4096xi32>
    %shift_left3A_117 = arith.shli %xor3A_113, %shift_left3A_116 : vector<8x32x4096xi32>
    %shift_right_logical3A_118 = arith.constant 17 : i32
    %shift_right_logical3A_119 = vector.broadcast %shift_right_logical3A_118 : i32 to vector<8x32x4096xi32>
    %shift_right_logical3A_120 = arith.shrui %xor3A_113, %shift_right_logical3A_119 : vector<8x32x4096xi32>
    %or3A_121 = arith.ori %shift_left3A_117, %shift_right_logical3A_120 : vector<8x32x4096xi32>
    %xor3A_122 = arith.xori %add3A_114, %or3A_121 : vector<8x32x4096xi32>
    %add3A_123 = arith.addi %add3A_114, %xor3A_122 : vector<8x32x4096xi32>
    %shift_left3A_124 = arith.constant 26 : i32
    %shift_left3A_125 = vector.broadcast %shift_left3A_124 : i32 to vector<8x32x4096xi32>
    %shift_left3A_126 = arith.shli %xor3A_122, %shift_left3A_125 : vector<8x32x4096xi32>
    %shift_right_logical3A_127 = arith.constant 6 : i32
    %shift_right_logical3A_128 = vector.broadcast %shift_right_logical3A_127 : i32 to vector<8x32x4096xi32>
    %shift_right_logical3A_129 = arith.shrui %xor3A_122, %shift_right_logical3A_128 : vector<8x32x4096xi32>
    %or3A_130 = arith.ori %shift_left3A_126, %shift_right_logical3A_129 : vector<8x32x4096xi32>
    %xor3A_131 = arith.xori %add3A_123, %or3A_130 : vector<8x32x4096xi32>
    %add3A_132 = arith.addi %add3A_123, %xor3A_131 : vector<8x32x4096xi32>
    %shift_left3A_133 = arith.constant 6 : i32
    %shift_left3A_134 = vector.broadcast %shift_left3A_133 : i32 to vector<8x32x4096xi32>
    %shift_left3A_135 = arith.shli %xor3A_131, %shift_left3A_134 : vector<8x32x4096xi32>
    %shift_right_logical3A_136 = arith.constant 26 : i32
    %shift_right_logical3A_137 = vector.broadcast %shift_right_logical3A_136 : i32 to vector<8x32x4096xi32>
    %shift_right_logical3A_138 = arith.shrui %xor3A_131, %shift_right_logical3A_137 : vector<8x32x4096xi32>
    %or3A_139 = arith.ori %shift_left3A_135, %shift_right_logical3A_138 : vector<8x32x4096xi32>
    %xor3A_140 = arith.xori %add3A_132, %or3A_139 : vector<8x32x4096xi32>
    %add3A_141 = arith.constant 0 : i32
    %add3A_142 = vector.broadcast %add3A_141 : i32 to vector<8x32x4096xi32>
    %add3A_143 = arith.addi %add3A_132, %add3A_142 : vector<8x32x4096xi32>
    %add3A_144 = arith.constant 1234 : i32
    %add3A_145 = vector.broadcast %add3A_144 : i32 to vector<8x32x4096xi32>
    %add3A_146 = arith.addi %xor3A_140, %add3A_145 : vector<8x32x4096xi32>
    %add3A_147 = arith.constant 3 : i32
    %add3A_148 = vector.broadcast %add3A_147 : i32 to vector<8x32x4096xi32>
    %add3A_149 = arith.addi %add3A_146, %add3A_148 : vector<8x32x4096xi32>
    %add3A_150 = arith.addi %add3A_143, %add3A_149 : vector<8x32x4096xi32>
    %shift_left3A_151 = arith.constant 17 : i32
    %shift_left3A_152 = vector.broadcast %shift_left3A_151 : i32 to vector<8x32x4096xi32>
    %shift_left3A_153 = arith.shli %add3A_149, %shift_left3A_152 : vector<8x32x4096xi32>
    %shift_right_logical3A_154 = arith.constant 15 : i32
    %shift_right_logical3A_155 = vector.broadcast %shift_right_logical3A_154 : i32 to vector<8x32x4096xi32>
    %shift_right_logical3A_156 = arith.shrui %add3A_149, %shift_right_logical3A_155 : vector<8x32x4096xi32>
    %or3A_157 = arith.ori %shift_left3A_153, %shift_right_logical3A_156 : vector<8x32x4096xi32>
    %xor3A_158 = arith.xori %add3A_150, %or3A_157 : vector<8x32x4096xi32>
    %add3A_159 = arith.addi %add3A_150, %xor3A_158 : vector<8x32x4096xi32>
    %shift_left3A_160 = arith.constant 29 : i32
    %shift_left3A_161 = vector.broadcast %shift_left3A_160 : i32 to vector<8x32x4096xi32>
    %shift_left3A_162 = arith.shli %xor3A_158, %shift_left3A_161 : vector<8x32x4096xi32>
    %shift_right_logical3A_163 = arith.constant 3 : i32
    %shift_right_logical3A_164 = vector.broadcast %shift_right_logical3A_163 : i32 to vector<8x32x4096xi32>
    %shift_right_logical3A_165 = arith.shrui %xor3A_158, %shift_right_logical3A_164 : vector<8x32x4096xi32>
    %or3A_166 = arith.ori %shift_left3A_162, %shift_right_logical3A_165 : vector<8x32x4096xi32>
    %xor3A_167 = arith.xori %add3A_159, %or3A_166 : vector<8x32x4096xi32>
    %add3A_168 = arith.addi %add3A_159, %xor3A_167 : vector<8x32x4096xi32>
    %shift_left3A_169 = arith.constant 16 : i32
    %shift_left3A_170 = vector.broadcast %shift_left3A_169 : i32 to vector<8x32x4096xi32>
    %shift_left3A_171 = arith.shli %xor3A_167, %shift_left3A_170 : vector<8x32x4096xi32>
    %shift_right_logical3A_172 = arith.constant 16 : i32
    %shift_right_logical3A_173 = vector.broadcast %shift_right_logical3A_172 : i32 to vector<8x32x4096xi32>
    %shift_right_logical3A_174 = arith.shrui %xor3A_167, %shift_right_logical3A_173 : vector<8x32x4096xi32>
    %or3A_175 = arith.ori %shift_left3A_171, %shift_right_logical3A_174 : vector<8x32x4096xi32>
    %xor3A_176 = arith.xori %add3A_168, %or3A_175 : vector<8x32x4096xi32>
    %add3A_177 = arith.addi %add3A_168, %xor3A_176 : vector<8x32x4096xi32>
    %shift_left3A_178 = arith.constant 24 : i32
    %shift_left3A_179 = vector.broadcast %shift_left3A_178 : i32 to vector<8x32x4096xi32>
    %shift_left3A_180 = arith.shli %xor3A_176, %shift_left3A_179 : vector<8x32x4096xi32>
    %shift_right_logical3A_181 = arith.constant 8 : i32
    %shift_right_logical3A_182 = vector.broadcast %shift_right_logical3A_181 : i32 to vector<8x32x4096xi32>
    %shift_right_logical3A_183 = arith.shrui %xor3A_176, %shift_right_logical3A_182 : vector<8x32x4096xi32>
    %or3A_184 = arith.ori %shift_left3A_180, %shift_right_logical3A_183 : vector<8x32x4096xi32>
    %xor3A_185 = arith.xori %add3A_177, %or3A_184 : vector<8x32x4096xi32>
    %add3A_186 = arith.constant 1234 : i32
    %add3A_187 = vector.broadcast %add3A_186 : i32 to vector<8x32x4096xi32>
    %add3A_188 = arith.addi %add3A_177, %add3A_187 : vector<8x32x4096xi32>
    %add3A_189 = arith.constant 466689800 : i32
    %add3A_190 = vector.broadcast %add3A_189 : i32 to vector<8x32x4096xi32>
    %add3A_191 = arith.addi %xor3A_185, %add3A_190 : vector<8x32x4096xi32>
    %add3A_192 = arith.constant 4 : i32
    %add3A_193 = vector.broadcast %add3A_192 : i32 to vector<8x32x4096xi32>
    %add3A_194 = arith.addi %add3A_191, %add3A_193 : vector<8x32x4096xi32>
    %add3A_195 = arith.addi %add3A_188, %add3A_194 : vector<8x32x4096xi32>
    %shift_left3A_196 = arith.constant 13 : i32
    %shift_left3A_197 = vector.broadcast %shift_left3A_196 : i32 to vector<8x32x4096xi32>
    %shift_left3A_198 = arith.shli %add3A_194, %shift_left3A_197 : vector<8x32x4096xi32>
    %shift_right_logical3A_199 = arith.constant 19 : i32
    %shift_right_logical3A_200 = vector.broadcast %shift_right_logical3A_199 : i32 to vector<8x32x4096xi32>
    %shift_right_logical3A_201 = arith.shrui %add3A_194, %shift_right_logical3A_200 : vector<8x32x4096xi32>
    %or3A_202 = arith.ori %shift_left3A_198, %shift_right_logical3A_201 : vector<8x32x4096xi32>
    %xor3A_203 = arith.xori %add3A_195, %or3A_202 : vector<8x32x4096xi32>
    %add3A_204 = arith.addi %add3A_195, %xor3A_203 : vector<8x32x4096xi32>
    %shift_left3A_205 = arith.constant 15 : i32
    %shift_left3A_206 = vector.broadcast %shift_left3A_205 : i32 to vector<8x32x4096xi32>
    %shift_left3A_207 = arith.shli %xor3A_203, %shift_left3A_206 : vector<8x32x4096xi32>
    %shift_right_logical3A_208 = arith.constant 17 : i32
    %shift_right_logical3A_209 = vector.broadcast %shift_right_logical3A_208 : i32 to vector<8x32x4096xi32>
    %shift_right_logical3A_210 = arith.shrui %xor3A_203, %shift_right_logical3A_209 : vector<8x32x4096xi32>
    %or3A_211 = arith.ori %shift_left3A_207, %shift_right_logical3A_210 : vector<8x32x4096xi32>
    %xor3A_212 = arith.xori %add3A_204, %or3A_211 : vector<8x32x4096xi32>
    %add3A_213 = arith.addi %add3A_204, %xor3A_212 : vector<8x32x4096xi32>
    %shift_left3A_214 = arith.constant 26 : i32
    %shift_left3A_215 = vector.broadcast %shift_left3A_214 : i32 to vector<8x32x4096xi32>
    %shift_left3A_216 = arith.shli %xor3A_212, %shift_left3A_215 : vector<8x32x4096xi32>
    %shift_right_logical3A_217 = arith.constant 6 : i32
    %shift_right_logical3A_218 = vector.broadcast %shift_right_logical3A_217 : i32 to vector<8x32x4096xi32>
    %shift_right_logical3A_219 = arith.shrui %xor3A_212, %shift_right_logical3A_218 : vector<8x32x4096xi32>
    %or3A_220 = arith.ori %shift_left3A_216, %shift_right_logical3A_219 : vector<8x32x4096xi32>
    %xor3A_221 = arith.xori %add3A_213, %or3A_220 : vector<8x32x4096xi32>
    %add3A_222 = arith.addi %add3A_213, %xor3A_221 : vector<8x32x4096xi32>
    %shift_left3A_223 = arith.constant 6 : i32
    %shift_left3A_224 = vector.broadcast %shift_left3A_223 : i32 to vector<8x32x4096xi32>
    %shift_left3A_225 = arith.shli %xor3A_221, %shift_left3A_224 : vector<8x32x4096xi32>
    %shift_right_logical3A_226 = arith.constant 26 : i32
    %shift_right_logical3A_227 = vector.broadcast %shift_right_logical3A_226 : i32 to vector<8x32x4096xi32>
    %shift_right_logical3A_228 = arith.shrui %xor3A_221, %shift_right_logical3A_227 : vector<8x32x4096xi32>
    %or3A_229 = arith.ori %shift_left3A_225, %shift_right_logical3A_228 : vector<8x32x4096xi32>
    %xor3A_230 = arith.xori %add3A_222, %or3A_229 : vector<8x32x4096xi32>
    %add3A_231 = arith.constant 466689800 : i32
    %add3A_232 = vector.broadcast %add3A_231 : i32 to vector<8x32x4096xi32>
    %add3A_233 = arith.addi %add3A_222, %add3A_232 : vector<8x32x4096xi32>
    %add3A_234 = arith.constant 0 : i32
    %add3A_235 = vector.broadcast %add3A_234 : i32 to vector<8x32x4096xi32>
    %add3A_236 = arith.addi %xor3A_230, %add3A_235 : vector<8x32x4096xi32>
    %add3A_237 = arith.constant 5 : i32
    %add3A_238 = vector.broadcast %add3A_237 : i32 to vector<8x32x4096xi32>
    %add3A_239 = arith.addi %add3A_236, %add3A_238 : vector<8x32x4096xi32>
    %xor3A_240 = arith.xori %add3A_233, %add3A_239 : vector<8x32x4096xi32>
    %shift_right_logical3A_241 = arith.constant 9 : i32
    %shift_right_logical3A_242 = vector.broadcast %shift_right_logical3A_241 : i32 to vector<8x32x4096xi32>
    %shift_right_logical3A_243 = arith.shrui %xor3A_240, %shift_right_logical3A_242 : vector<8x32x4096xi32>
    %or3A_244 = arith.constant 1065353216 : i32
    %or3A_245 = vector.broadcast %or3A_244 : i32 to vector<8x32x4096xi32>
    %or3A_246 = arith.ori %shift_right_logical3A_243, %or3A_245 : vector<8x32x4096xi32>
    %bitcast_convert_type3A = tpu.bitcast %or3A_246 : vector<8x32x4096xi32> -> vector<8x32x4096xf32>
    %sub3A = arith.constant 1.000000e+00 : f32
    %sub3A_247 = vector.broadcast %sub3A : f32 to vector<8x32x4096xf32>
    %sub3A_248 = arith.subf %bitcast_convert_type3A, %sub3A_247 : vector<8x32x4096xf32>
    %mul3A_249 = arith.constant 2.000000e+00 : f32
    %mul3A_250 = vector.broadcast %mul3A_249 : f32 to vector<8x32x4096xf32>
    %mul3A_251 = arith.mulf %sub3A_248, %mul3A_250 : vector<8x32x4096xf32>
    %sub3A_252 = arith.constant 1.000000e+00 : f32
    %sub3A_253 = vector.broadcast %sub3A_252 : f32 to vector<8x32x4096xf32>
    %sub3A_254 = arith.subf %mul3A_251, %sub3A_253 : vector<8x32x4096xf32>
    %max3A = arith.constant -1.000000e+00 : f32
    %max3A_255 = vector.broadcast %max3A : f32 to vector<8x32x4096xf32>
    %max3A_256 = arith.maximumf %max3A_255, %sub3A_254 : vector<8x32x4096xf32>
    %get3A = arith.constant 0 : index
    %get3A_257 = arith.constant 0 : index
    %get3A_258 = arith.constant 0 : index
    %get3A_259 = vector.load %arg1[%get3A, %get3A_257, %get3A_258] : memref<8x32x4096xf32, #tpu.memory_space<vmem>>, vector<8x32x4096xf32>
    %mul3A_260 = arith.constant 6.250000e-02 : f32
    %mul3A_261 = vector.broadcast %mul3A_260 : f32 to vector<8x32x4096xf32>
    %mul3A_262 = arith.mulf %max3A_256, %mul3A_261 : vector<8x32x4096xf32>
    %add3A_263 = arith.addf %get3A_259, %mul3A_262 : vector<8x32x4096xf32>
    %swap3A = arith.constant 0 : index
    %swap3A_264 = arith.constant 0 : index
    %swap3A_265 = arith.constant 0 : index
    %swap3A_266 = vector.load %arg2[%swap3A, %swap3A_264, %swap3A_265] : memref<8x32x4096xf32, #tpu.memory_space<vmem>>, vector<8x32x4096xf32>
    tpu.vector_store %arg2[%swap3A, %swap3A_264, %swap3A_265], %add3A_263 {strides = array<i32>} : memref<8x32x4096xf32, #tpu.memory_space<vmem>>, vector<8x32x4096xf32>,
    return
  }
  func.func @transform_0(%arg0: i32) -> (i32, i32, i32) {
    %c0_i32 = arith.constant 0 : i32
    %c0_i32_0 = arith.constant 0 : i32
    %c0_i32_1 = arith.constant 0 : i32
    return %arg0, %c0_i32, %c0_i32_0 : i32, i32, i32
  }
  func.func @transform_1(%arg0: i32) -> (i32, i32, i32) {
    %c0_i32 = arith.constant 0 : i32
    %c0_i32_0 = arith.constant 0 : i32
    %c0_i32_1 = arith.constant 0 : i32
    return %arg0, %c0_i32, %c0_i32_0 : i32, i32, i32
  }
}

</mosaic_0001>

<sc_bundles>
// kernel: kernel.4.cloned.1.call-start
scs
__scs_entry_jumppad:
0x0: {  	(pc) =	sbr.rel $0x88, $3  }
0x1: {  	(tag) =	ssettag $0x0;
	lr =	simm.s32 $0x1  }
0x2: {  	[smem:$0x3F9F] =	sst lr;
	_ =	strace $0xD0000000  }
0x3: {  	_ = 	snop  }
0x4: {  	_ = 	snop  }
0x5: {  	_ = 	snop  }
0x6: {  	_ = 	snop  }
0x7: {  	_ = 	snop  }
__scs_overlays_trampoline_lowered:
0x8: {  	[smem:$0x3FAE] =	sst s0  }
0x9: {  	[smem:$0x3FAF] =	sst s1  }
0xa: {  	[smem:$0x3FB0] =	sst s2  }
0xb: {  	[smem:$0x3FB1] =	sst s3  }
0xc: {  	[smem:$0x3FB2] =	sst s4  }
0xd: {  	[smem:$0x3FB3] =	sst s5  }
0xe: {  	[smem:$0x3FB4] =	sst s6  }
0xf: {  	[smem:$0x3FB5] =	sst s7  }
0x10: {  	[smem:$0x3FB6] =	sst s8  }
0x11: {  	[smem:$0x3FB7] =	sst s9;
	s0 =	simm.s32 @!p0 $0x0  }
0x12: {  	s1 =	sld [smem:$0x3F9D];
	s0 =	simm.s32 @p0 $0x1  }
0x13: {  	[smem:$0x3FB8] =	sst s0;
	s0 =	simm.s32 @!p1 $0x0  }
0x14: {  	s2 =	sld [smem:$0x3F9C];
	s0 =	simm.s32 @p1 $0x1  }
0x15: {  	[smem:$0x3FB9] =	sst s0;
	s0 =	simm.s32 @!p2 $0x0  }
0x16: {  	s3 =	sld [smem:$0x3FDB];
	s0 =	simm.s32 @p2 $0x1  }
0x17: {  	s4 =	simm.s32 $0x1BF5;
	[smem:$0x3FBB] =	sst s0  }
0x18: {  	s0 =	sld [smem:$0x3F9E];
	_ =	swait.ge [sflag:s4], $0x0  }
0x19: {  	s7 =	sld [smem:$0x3F9F]  }
0x1a: {  	s8 =	sadd.s32 $0xFFFFE003, lr  }
0x1b: {  	s9 =	sadd.s32 $0xFFFFFEF7, lr;
	s5 =	simm.s32 $0xFFFFFFFF;
	p2 =	slt.u32 s8, $0xFFFFF086  }
0x1c: {  	p1 =	slt.u32 s9, $0xF7A;
	s5 =	simm.s32 @!p2 $0x0  }
0x1d: {  	s5 =	simm.s32 @p1 $0x1;
	p0 =	seq.s32 s7, s2  }
0x1e: {  	s7 =	smul.u32 @!p0 $0xF7A, s2;
	p2 =	seq.s32 @!p0 s5, $0x0  }
0x1f: {  	s9 =	smul.u32 $0xF7A, s1;
	s8 =	simm.s32 @!p0 $0x1BF5;
	p2 =	por !p2, p0  }
0x20: {  	[sflag:s8] =	ssyncset.s32 @!p0 $0xFFFFF086;
	s6 =	sadd.s32 @!p0 s3, s7;
	s7 =	simm.s32 @!p0 $0x108  }
0x21: {  	s3 =	sadd.s32 s3, s9;
	s6 =	sadd.s32 @!p0 $0x88, s6;
	s7 =	simm.s32 @p2 $0x1082  }
0x22: {  	[simem:s7], [sflag:s8] =	dma.local @!p0 [hbm:s6], $0xF7A  }
0x23: {  	s9 =	sor.u32 $0xD0000000, s2;
	s6 =	simm.s32 $0x108;
	_ =	swait.ge @!p0 [sflag:s8], $0x0  }
0x24: {  	s3 =	sadd.s32 $0x88, s3;
	s6 =	simm.s32 @!p1 $0x1082;
	[sflag:s4] =	ssyncset.s32 $0xFFFFF086  }
0x25: {  	[simem:s6], [sflag:s4] =	dma.local [hbm:s3], $0xF7A  }
0x26: {  	[smem:$0x3F9F] =	sst s1;
	(tag) =	ssettag s2;
	_ =	strace s9  }
0x27: {  	s1 =	sld [smem:$0x3FAF]  }
0x28: {  	s2 =	sld [smem:$0x3FB0]  }
0x29: {  	s4 =	sld [smem:$0x3FB2]  }
0x2a: {  	p0 =	seq.s32 s5, $0x0;
	s5 =	sld [smem:$0x3FB3]  }
0x2b: {  	s6 =	sld [smem:$0x3FB4]  }
0x2c: {  	s7 =	sld [smem:$0x3FB5]  }
0x2d: {  	s3 =	simm.s32 $0x108;
	s8 =	sld [smem:$0x3FB6]  }
0x2e: {  	s3 =	simm.s32 @!p0 $0x1082;
	s9 =	sld [smem:$0x3FB7]  }
0x2f: {  	lr =	sadd.s32 s0, s3;
	s0 =	sld [smem:$0x3FAE]  }
0x30: {  	s3 =	sld [smem:$0x3FB1]  }
0x31: {  	[smem:$0x3FBA] =	sst s10  }
0x32: {  	s10 =	sld [smem:$0x3FB8];
	_ =	sdelay $0x3  }
0x33: {  	p0 =	seq.s32 s10, $0x1;
	s10 =	sld [smem:$0x3FBA];
	_ =	sdelay $0x3  }
0x34: {  	[smem:$0x3FBA] =	sst s10  }
0x35: {  	s10 =	sld [smem:$0x3FB9];
	_ =	sdelay $0x3  }
0x36: {  	p1 =	seq.s32 s10, $0x1;
	s10 =	sld [smem:$0x3FBA];
	_ =	sdelay $0x3  }
0x37: {  	[smem:$0x3FBA] =	sst s10  }
0x38: {  	s10 =	sld [smem:$0x3FBB]  }
0x39: {  	_ = 	snop;
	(pc) =	sbr.ind lr, $3  }
0x3a: {  	_ = 	snop  }
0x3b: {  	_ = 	snop  }
0x3c: {  	p2 =	seq.s32 s10, $0x1;
	s10 =	sld [smem:$0x3FBA]  }
0x3d: {  	_ =	shalt  }
0x3e: {  	_ =	shalt  }
0x3f: {  	_ =	shalt  }
0x40: {  	_ =	shalt  }
0x41: {  	_ =	shalt  }
0x42: {  	_ =	shalt  }
0x43: {  	_ =	shalt  }
0x44: {  	_ =	shalt  }
0x45: {  	_ =	shalt  }
0x46: {  	_ =	shalt  }
0x47: {  	_ =	shalt  }
0x48: {  	_ =	shalt  }
0x49: {  	_ =	shalt  }
0x4a: {  	_ =	shalt  }
0x4b: {  	_ =	shalt  }
0x4c: {  	_ =	shalt  }
0x4d: {  	_ =	shalt  }
0x4e: {  	_ =	shalt  }
0x4f: {  	_ =	shalt  }
0x50: {  	_ =	shalt  }
0x51: {  	_ =	shalt  }
0x52: {  	_ =	shalt  }
0x53: {  	_ =	shalt  }
0x54: {  	_ =	shalt  }
0x55: {  	_ =	shalt  }
0x56: {  	_ =	shalt  }
0x57: {  	_ =	shalt  }
0x58: {  	_ =	shalt  }
0x59: {  	_ =	shalt  }
0x5a: {  	_ =	shalt  }
0x5b: {  	_ =	shalt  }
0x5c: {  	_ =	shalt  }
0x5d: {  	_ =	shalt  }
0x5e: {  	_ =	shalt  }
0x5f: {  	_ =	shalt  }
0x60: {  	_ =	shalt  }
0x61: {  	_ =	shalt  }
0x62: {  	_ =	shalt  }
0x63: {  	_ =	shalt  }
0x64: {  	_ =	shalt  }
0x65: {  	_ =	shalt  }
0x66: {  	_ =	shalt  }
0x67: {  	_ =	shalt  }
0x68: {  	_ =	shalt  }
0x69: {  	_ =	shalt  }
0x6a: {  	_ =	shalt  }
0x6b: {  	_ =	shalt  }
0x6c: {  	_ =	shalt  }
0x6d: {  	_ =	shalt  }
0x6e: {  	_ =	shalt  }
0x6f: {  	_ =	shalt  }
0x70: {  	_ =	shalt  }
0x71: {  	_ =	shalt  }
0x72: {  	_ =	shalt  }
0x73: {  	_ =	shalt  }
0x74: {  	_ =	shalt  }
0x75: {  	_ =	shalt  }
0x76: {  	_ =	shalt  }
0x77: {  	_ =	shalt  }
0x78: {  	_ =	shalt  }
0x79: {  	_ =	shalt  }
0x7a: {  	_ =	shalt  }
0x7b: {  	_ =	shalt  }
0x7c: {  	_ =	shalt  }
0x7d: {  	_ =	shalt  }
0x7e: {  	_ =	shalt  }
0x7f: {  	_ =	shalt  }
0x80: {  	_ =	shalt  }
0x81: {  	_ =	shalt  }
0x82: {  	_ =	shalt  }
0x83: {  	_ =	shalt  }
0x84: {  	_ =	shalt  }
0x85: {  	_ =	shalt  }
0x86: {  	_ =	shalt  }
0x87: {  	_ =	shalt  }
.Lfunc_end0:
.L_simem_size_0:
called_computation.1_lowered:
.L_overlay_start_0:
0x88: {  	s2 =	sld [smem:$0x3FD9]  }
0x89: {  	s3 =	sld [smem:$0x3FFE];
	_ =	sdelay $0x1  }
0x8a: {  	s1 =	srdreg.scid  }
0x8b: {  	s0 =	sand.u32 $0x1, s1  }
0x8c: {  	s17 =	sshll.u32 s0, $0xA;
	s2 =	sadd.s32 s3, s2  }
0x8d: {  	s2 =	sadd.s32 s2, s17  }
0x8e: {  	[smem:$0x3FC6] =	sst s2  }
0x8f: {  	_ = 	snop  }
0x90: {  	s2 =	sld [smem:$0x3FD0];
	(tm) =	ssettm $0x1  }
0x91: {  	s18 =	sld [smem:$0x3FFB];
	_ =	sdelay $0x3  }
0x92: {  	_ =	strace s18  }
0x93: {  	s3 =	sld [smem:$0x3FFC];
	_ =	sdelay $0x3  }
0x94: {  	_ =	strace s3  }
0x95: {  	s3 =	sld [smem:$0x3FFD];
	_ =	sdelay $0x3  }
0x96: {  	_ =	strace s3  }
0x97: {  	_ =	strace $0x8FFFFFFF  }
0x98: {  	s19 =	sld [smem:$0x3FDB];
	_ =	sdelay $0x1  }
0x99: {  	s4 =	simm.s32 $_scs_section_size  }
0x9a: {  	s5 =	simm.s32 $_size__tile_overlayer_lowered;
	s6 =	simm.s32 $_tile_overlayer_lowered  }
0x9b: {  	s22 =	simm.s32 $0x1BFF;
	s21 =	sshll.u32 s6, $0x1;
	s3 =	sadd.s32 s4, s19  }
0x9c: {  	s7 =	simm.s32 $0x0;
	s20 =	sshll.u32 s5, $0x1;
	s5 =	sadd.s32 s21, s3  }
0x9d: {  	[timem:s7], [sflag:s22] =	dma.local [hbm:s5], s20  }
0x9e: {  	_ =	swait.ge [sflag:s22], s20  }
0x9f: {  	s4 =	ssub.s32 $0x0, s20;
	[sflag:s22] =	ssyncset.done $0x0  }
0xa0: {  	[sflag:s22] =	ssyncadd.s32 s4;
	_ =	sdelay $0x1  }
0xa1: {  	s23 =	simm.s32 $0x1B8B  }
0xa2: {  	_ =	swait.ge [sflag:s23], $0x1  }
0xa3: {  	[sflag:s23] =	ssyncset.done $0x0  }
0xa4: {  	s25 =	simm.s32 $0x1B8E;
	s24 =	sld [smem:$0x3FFE];
	[sflag:s23] =	ssyncadd.s32 $0xFFFFFFFF  }
0xa5: {  	s26 =	simm.s32 $execute0_lowered;
	[smem:$0x3FD2] =	sst s25  }
0xa6: {  	s5 =	sshll.u32 s26, $0x1;
	_ =	strace $0x80000046;
	[dreg:$0x1] =	wrdreg $0xFFFFFFFF  }
0xa7: {  	s28 =	simm.s32 $_size_execute0_lowered;
	s3 =	sadd.s32 s3, s5;
	[dreg:$0x0] =	wrdreg $0x0  }
0xa8: {  	s5 =	sshll.u32 s28, $0x1;
	[dreg:$0x2] =	wrdreg s3  }
0xa9: {  	[dreg:$0x3] =	wrdreg s5  }
0xaa: {  	[dreg:$0x4] =	wrdreg $0xC0  }
0xab: {  	_ =	task [dreg:s7], $0x5FFFF  }
0xac: {  	[dreg:$0x1] =	wrdreg $0xFFFFFFFF  }
0xad: {  	[dreg:$0x0] =	wrdreg $0x60  }
0xae: {  	[dreg:$0x2] =	wrdreg s24  }
0xaf: {  	[dreg:$0x3] =	wrdreg s2  }
0xb0: {  	[dreg:$0x4] =	wrdreg $0x9  }
0xb1: {  	_ =	task.clear_ibuf [dreg:s7], $0x5FFFF;
	_ =	strace $0x90000046  }
0xb2: {  	s29 =	simm.s32 $0x9;
	_ =	strace $0x80000048  }
0xb3: {  	_ =	swait.ge [sflag:s29], $0x1  }
0xb4: {  	[sflag:s29] =	ssyncadd.s32 $0xFFFFFFFF  }
0xb5: {  	_ =	strace $0x90000048  }
0xb6: {  	_ =	sfence  }
0xb7: {  	s30 =	sld [smem:$0x0];
	_ =	sdelay $0x2  }
0xb8: {  	s31 =	sshll.u32 s1, $0xD;
	s1 =	sshrl.u32 s1, $0x2  }
0xb9: {  	s3 =	sand.u32 $0x4000, s31;
	s1 =	sadd.s32 s1, s30  }
0xba: {  	s0 =	sor.u32 s3, s0;
	s1 =	sshll.u32 s1, $0x11  }
0xbb: {  	s0 =	sor.u32 s1, s0  }
0xbc: {  	s0 =	sadd.s32 $0x8F2B, s0  }
0xbd: {  	[sflag:s0] =	ssyncadd.remote.s32 $0x1  }
0xbe: {  	_ =	sfence.sel $0xFFFF  }
0xbf: {  	[dreg:$0x0] =	wrdreg $0xFFFFFFFF;
	(pc) =	sbr.abs _section_cstart, $3  }
0xc0: {  	[dreg:$0x1] =	wrdreg $0xFFFFFFFF  }
0xc1: {  	_ =	task.clear_ibuf [dreg:s7], $0x2FFFF;
	_ =	strace $0x9FFFFFFF  }
0xc2: {  	(tm) =	ssettm $0x7FFFFFFF  }
0xc3: {  	_ =	shalt  }
tec
execute0_lowered:
.L_overlay_start_1:
0x0: {  	(tag) =	ssettag $0x1  }
0x1: {  	s4 =	rddreg [dreg:$0x0]  }
0x2: {  	s1 =	srdreg.scid;
	s6 =	rddreg [dreg:$0x1]  }
0x3: {  	s2 =	simm.s32 $0x0;
	s5 =	sand.u32 $0x1, s1;
	s1 =	rddreg [dreg:$0x2]  }
0x4: {  	s16 =	simm.s32 $0x7400;
	[smem:$0x7FF] =	sst s2  }
0x5: {  	s18 =	simm.s32 $0x8400;
	_ =	strace $0x80000047;
	[dreg:$0x5] =	wrdreg s16  }
0x6: {  	s19 =	simm.s32 $0x9400;
	[dreg:$0x6] =	wrdreg s18  }
0x7: {  	s20 =	simm.s32 $0xA400;
	[dreg:$0x7] =	wrdreg s19  }
0x8: {  	s21 =	simm.s32 $0xB400;
	[dreg:$0x8] =	wrdreg s20  }
0x9: {  	s22 =	simm.s32 $0xC400;
	[dreg:$0x9] =	wrdreg s21  }
0xa: {  	s0 =	stileid.u32;
	s23 =	simm.s32 $0xD400;
	[dreg:$0xa] =	wrdreg s22  }
0xb: {  	s25 =	simm.s32 $0xE400;
	s26 =	simm.s32 $0xF400;
	[dreg:$0xb] =	wrdreg s23  }
0xc: {  	s28 =	simm.s32 $0x11400;
	s29 =	simm.s32 $0x12400;
	[dreg:$0xc] =	wrdreg s25  }
0xd: {  	s30 =	simm.s32 $0x13400;
	s31 =	simm.s32 $0x14400;
	[dreg:$0xd] =	wrdreg s26  }
0xe: {  	s10 =	simm.s32 $0x15400;
	s11 =	simm.s32 $0x17400;
	[dreg:$0xe] =	wrdreg s28  }
0xf: {  	s12 =	simm.s32 $0x18400;
	s3 =	smul.u32 $0xC800, s0;
	[dreg:$0xf] =	wrdreg s29  }
0x10: {  	s13 =	simm.s32 $0x19400;
	s8 =	smul.u32 $0x32000, s0;
	[dreg:$0x10] =	wrdreg s30  }
0x11: {  	s14 =	simm.s32 $0x1;
	s7 =	smul.u32 $0x6400, s5;
	[dreg:$0x11] =	wrdreg s31  }
0x12: {  	s17 =	sshll.u32 s0, $0x1;
	s9 =	smul.u32 $0x19000, s5;
	[dreg:$0x12] =	wrdreg s10  }
0x13: {  	s10 =	simm.s32 $0x16400;
	s16 =	simm.s32 $0x0;
	s15 =	sadd.s32 s8, s6  }
0x14: {  	s8 =	simm.s32 $0x6400;
	s3 =	sadd.s32 s7, s3;
	s7 =	sadd.s32 s9, s15  }
0x15: {  	s9 =	simm.s32 $0x10400;
	s15 =	simm.s32 $0x2;
	s3 =	sshll.u32 s3, $0x2  }
0x16: {  	[dreg:$0x3] =	wrdreg s7;
	s3 =	sadd.s32 s6, s3;
	s6 =	sor.u32 s5, s17  }
0x17: {  	s5 =	ssub.s32 $0x2, s5;
	s3 =	sadd.s32 $0x1400, s3;
	s6 =	smul.u32 $0xC80, s6  }
0x18: {  	s7 =	simm.s32 $0x80;
	s24 =	sshrl.u32 s5, $0x1;
	[dreg:$0x4] =	wrdreg s3  }
0x19: {  	s3 =	sadd.s32 $0xF42E00, s4;
	s5 =	ssub.s32 s5, s24;
	s4 =	sadd.s32 s6, s4  }
0x1a: {  	s5 =	smax.u32 s5, $0x1;
	s6 =	simm.s32 $0x3;
	s4 =	sadd.s32 $0xA00, s4  }
.LBB2_1:
0x1b: {  	[tilespmem:s2], [sflag:$0x3] =	stream.linear.gather [hbm4b:s4+s2], $0x6400, $0x38;
	[tilespmem:$0x1A400] =	vst v63  }
0x1c: {  	_ =	swait.ge [sflag:s6], $0x6400  }
0x1d: {  	[sflag:s6] =	ssyncset.done $0x0  }
0x1e: {  	s17 =	simm.s32 $0x0;
	[sflag:s6] =	ssyncadd.s32 $0xFFFF9C00  }
0x1f: {  	[tilespmem:s8], [sflag:$0x1] =	stream.indirect.gather [hbm4b:s3+s7], $0x20, s17, s7, $0xb8;
	[tilespmem:$0x1A400] =	vst v63  }
0x20: {  	s20 =	simm.s32 $0x80;
	s18 =	rddreg [dreg:$0x5]  }
0x21: {  	[tilespmem:s18], [sflag:$0x1] =	stream.indirect.gather [hbm4b:s3+s7], $0x20, s20, s7, $0xb8;
	[tilespmem:$0x1A400] =	vst v63  }
0x22: {  	s21 =	simm.s32 $0x100;
	s19 =	rddreg [dreg:$0x6]  }
0x23: {  	[tilespmem:s19], [sflag:$0x1] =	stream.indirect.gather [hbm4b:s3+s7], $0x20, s21, s7, $0xb8;
	[tilespmem:$0x1A400] =	vst v63  }
0x24: {  	s23 =	simm.s32 $0x180;
	s22 =	rddreg [dreg:$0x7]  }
0x25: {  	[tilespmem:s22], [sflag:$0x1] =	stream.indirect.gather [hbm4b:s3+s7], $0x20, s23, s7, $0xb8;
	[tilespmem:$0x1A400] =	vst v63  }
0x26: {  	s25 =	simm.s32 $0x200;
	s24 =	rddreg [dreg:$0x8]  }
0x27: {  	[tilespmem:s24], [sflag:$0x1] =	stream.indirect.gather [hbm4b:s3+s7], $0x20, s25, s7, $0xb8;
	[tilespmem:$0x1A400] =	vst v63  }
0x28: {  	s28 =	simm.s32 $0x280;
	s26 =	rddreg [dreg:$0x9]  }
0x29: {  	[tilespmem:s26], [sflag:$0x1] =	stream.indirect.gather [hbm4b:s3+s7], $0x20, s28, s7, $0xb8;
	[tilespmem:$0x1A400] =	vst v63  }
0x2a: {  	s30 =	simm.s32 $0x300;
	s29 =	rddreg [dreg:$0xa]  }
0x2b: {  	[tilespmem:s29], [sflag:$0x1] =	stream.indirect.gather [hbm4b:s3+s7], $0x20, s30, s7, $0xb8;
	[tilespmem:$0x1A400] =	vst v63  }
0x2c: {  	s31 =	rddreg [dreg:$0xb];
	s20 =	simm.s32 $0x380  }
0x2d: {  	[tilespmem:s31], [sflag:$0x1] =	stream.indirect.gather [hbm4b:s3+s7], $0x20, s20, s7, $0xb8;
	[tilespmem:$0x1A400] =	vst v63  }
0x2e: {  	s21 =	rddreg [dreg:$0xc];
	s22 =	simm.s32 $0x400  }
0x2f: {  	[tilespmem:s21], [sflag:$0x1] =	stream.indirect.gather [hbm4b:s3+s7], $0x20, s22, s7, $0xb8;
	[tilespmem:$0x1A400] =	vst v63  }
0x30: {  	s23 =	rddreg [dreg:$0xd];
	s24 =	simm.s32 $0x480  }
0x31: {  	[tilespmem:s23], [sflag:$0x1] =	stream.indirect.gather [hbm4b:s3+s7], $0x20, s24, s7, $0xb8;
	[tilespmem:$0x1A400] =	vst v63  }
0x32: {  	s25 =	simm.s32 $0x500  }
0x33: {  	[tilespmem:s9], [sflag:$0x1] =	stream.indirect.gather [hbm4b:s3+s7], $0x20, s25, s7, $0xb8;
	[tilespmem:$0x1A400] =	vst v63  }
0x34: {  	s26 =	rddreg [dreg:$0xe];
	s28 =	simm.s32 $0x580  }
0x35: {  	[tilespmem:s26], [sflag:$0x1] =	stream.indirect.gather [hbm4b:s3+s7], $0x20, s28, s7, $0xb8;
	[tilespmem:$0x1A400] =	vst v63  }
0x36: {  	s29 =	rddreg [dreg:$0xf];
	s30 =	simm.s32 $0x600  }
0x37: {  	[tilespmem:s29], [sflag:$0x1] =	stream.indirect.gather [hbm4b:s3+s7], $0x20, s30, s7, $0xb8;
	[tilespmem:$0x1A400] =	vst v63  }
0x38: {  	s31 =	rddreg [dreg:$0x10];
	s20 =	simm.s32 $0x680  }
0x39: {  	[tilespmem:s31], [sflag:$0x1] =	stream.indirect.gather [hbm4b:s3+s7], $0x20, s20, s7, $0xb8;
	[tilespmem:$0x1A400] =	vst v63  }
0x3a: {  	s21 =	rddreg [dreg:$0x11];
	s22 =	simm.s32 $0x700  }
0x3b: {  	[tilespmem:s21], [sflag:$0x1] =	stream.indirect.gather [hbm4b:s3+s7], $0x20, s22, s7, $0xb8;
	[tilespmem:$0x1A400] =	vst v63  }
0x3c: {  	s23 =	rddreg [dreg:$0x12];
	s24 =	simm.s32 $0x780  }
0x3d: {  	[tilespmem:s23], [sflag:$0x1] =	stream.indirect.gather [hbm4b:s3+s7], $0x20, s24, s7, $0xb8;
	[tilespmem:$0x1A400] =	vst v63  }
0x3e: {  	s25 =	simm.s32 $0x800  }
0x3f: {  	[tilespmem:s10], [sflag:$0x1] =	stream.indirect.gather [hbm4b:s3+s7], $0x20, s25, s7, $0xb8;
	[tilespmem:$0x1A400] =	vst v63  }
0x40: {  	s26 =	simm.s32 $0x880  }
0x41: {  	[tilespmem:s11], [sflag:$0x1] =	stream.indirect.gather [hbm4b:s3+s7], $0x20, s26, s7, $0xb8;
	[tilespmem:$0x1A400] =	vst v63  }
0x42: {  	s28 =	simm.s32 $0x900  }
0x43: {  	[tilespmem:s12], [sflag:$0x1] =	stream.indirect.gather [hbm4b:s3+s7], $0x20, s28, s7, $0xb8;
	[tilespmem:$0x1A400] =	vst v63  }
0x44: {  	s29 =	simm.s32 $0x980  }
0x45: {  	[tilespmem:s13], [sflag:$0x1] =	stream.indirect.gather [hbm4b:s3+s7], $0x20, s29, s7, $0xb8;
	[tilespmem:$0x1A400] =	vst v63  }
0x46: {  	_ =	swait.ge [sflag:s14], $0x1000  }
0x47: {  	[sflag:s14] =	ssyncset.done $0x0  }
0x48: {  	[sflag:s14] =	ssyncadd.s32 $0xFFFFF000  }
0x49: {  	_ =	swait.ge [sflag:s14], $0x1000  }
0x4a: {  	[sflag:s14] =	ssyncset.done $0x0  }
0x4b: {  	[sflag:s14] =	ssyncadd.s32 $0xFFFFF000  }
0x4c: {  	_ =	swait.ge [sflag:s14], $0x1000  }
0x4d: {  	[sflag:s14] =	ssyncset.done $0x0  }
0x4e: {  	[sflag:s14] =	ssyncadd.s32 $0xFFFFF000  }
0x4f: {  	_ =	swait.ge [sflag:s14], $0x1000  }
0x50: {  	[sflag:s14] =	ssyncset.done $0x0  }
0x51: {  	[sflag:s14] =	ssyncadd.s32 $0xFFFFF000  }
0x52: {  	_ =	swait.ge [sflag:s14], $0x1000  }
0x53: {  	[sflag:s14] =	ssyncset.done $0x0  }
0x54: {  	[sflag:s14] =	ssyncadd.s32 $0xFFFFF000  }
0x55: {  	_ =	swait.ge [sflag:s14], $0x1000  }
0x56: {  	[sflag:s14] =	ssyncset.done $0x0  }
0x57: {  	[sflag:s14] =	ssyncadd.s32 $0xFFFFF000  }
0x58: {  	_ =	swait.ge [sflag:s14], $0x1000  }
0x59: {  	[sflag:s14] =	ssyncset.done $0x0  }
0x5a: {  	[sflag:s14] =	ssyncadd.s32 $0xFFFFF000  }
0x5b: {  	_ =	swait.ge [sflag:s14], $0x1000  }
0x5c: {  	[sflag:s14] =	ssyncset.done $0x0  }
0x5d: {  	[sflag:s14] =	ssyncadd.s32 $0xFFFFF000  }
0x5e: {  	_ =	swait.ge [sflag:s14], $0x1000  }
0x5f: {  	[sflag:s14] =	ssyncset.done $0x0  }
0x60: {  	[sflag:s14] =	ssyncadd.s32 $0xFFFFF000  }
0x61: {  	_ =	swait.ge [sflag:s14], $0x1000  }
0x62: {  	s30 =	rddreg [dreg:$0x3];
	[sflag:s14] =	ssyncset.done $0x0  }
0x63: {  	[sflag:s14] =	ssyncadd.s32 $0xFFFFF000;
	s17 =	sadd.s32 $0x0, s30  }
0x64: {  	[hbm4b:s17+s2] =	stream.linear.scatter [tilespmem:s8], [sflag:$0x2], $0xA000, $0x38;
	[tilespmem:$0x1A400] =	vst v63  }
0x65: {  	_ =	swait.ge [sflag:s14], $0x1000  }
0x66: {  	[sflag:s14] =	ssyncset.done $0x0  }
0x67: {  	[sflag:s14] =	ssyncadd.s32 $0xFFFFF000  }
0x68: {  	_ =	swait.ge [sflag:s14], $0x1000  }
0x69: {  	[sflag:s14] =	ssyncset.done $0x0  }
0x6a: {  	[sflag:s14] =	ssyncadd.s32 $0xFFFFF000  }
0x6b: {  	_ =	swait.ge [sflag:s14], $0x1000  }
0x6c: {  	[sflag:s14] =	ssyncset.done $0x0  }
0x6d: {  	[sflag:s14] =	ssyncadd.s32 $0xFFFFF000  }
0x6e: {  	_ =	swait.ge [sflag:s14], $0x1000  }
0x6f: {  	[sflag:s14] =	ssyncset.done $0x0  }
0x70: {  	[sflag:s14] =	ssyncadd.s32 $0xFFFFF000  }
0x71: {  	_ =	swait.ge [sflag:s14], $0x1000  }
0x72: {  	[sflag:s14] =	ssyncset.done $0x0  }
0x73: {  	[sflag:s14] =	ssyncadd.s32 $0xFFFFF000  }
0x74: {  	_ =	swait.ge [sflag:s14], $0x1000  }
0x75: {  	[sflag:s14] =	ssyncset.done $0x0  }
0x76: {  	[sflag:s14] =	ssyncadd.s32 $0xFFFFF000  }
0x77: {  	_ =	swait.ge [sflag:s14], $0x1000  }
0x78: {  	[sflag:s14] =	ssyncset.done $0x0  }
0x79: {  	[sflag:s14] =	ssyncadd.s32 $0xFFFFF000  }
0x7a: {  	_ =	swait.ge [sflag:s14], $0x1000  }
0x7b: {  	[sflag:s14] =	ssyncset.done $0x0  }
0x7c: {  	[sflag:s14] =	ssyncadd.s32 $0xFFFFF000  }
0x7d: {  	_ =	swait.ge [sflag:s14], $0x1000  }
0x7e: {  	[sflag:s14] =	ssyncset.done $0x0  }
0x7f: {  	[sflag:s14] =	ssyncadd.s32 $0xFFFFF000  }
0x80: {  	_ =	swait.ge [sflag:s14], $0x1000  }
0x81: {  	s31 =	rddreg [dreg:$0x4];
	[sflag:s14] =	ssyncset.done $0x0  }
0x82: {  	[sflag:s14] =	ssyncadd.s32 $0xFFFFF000;
	s17 =	sadd.s32 $0x0, s31  }
0x83: {  	[hbm4b:s17+s2] =	stream.linear.scatter [tilespmem:s9], [sflag:$0x2], $0xA000, $0x38;
	[tilespmem:$0x1A400] =	vst v63  }
0x84: {  	_ =	swait.ge [sflag:s15], $0xA000  }
0x85: {  	[sflag:s15] =	ssyncset.done $0x0  }
0x86: {  	[sflag:s15] =	ssyncadd.s32 $0xFFFF6000  }
0x87: {  	_ =	swait.ge [sflag:s15], $0xA000  }
0x88: {  	s21 =	simm.s32 $0x5000;
	s17 =	simm.s32 $0x2800;
	[sflag:s15] =	ssyncset.done $0x0  }
.LBB2_2:
0x89: {  	s20 =	sshra.s32 s17, $0x2;
	[sflag:s15] =	ssyncadd.s32 $0xFFFF6000  }
0x8a: {  	[tilespmem:s8], [sflag:$0x1] =	stream.indirect.gather [hbm4b:s3+s7], $0x20, s20, s7, $0xb8;
	[tilespmem:$0x1A400] =	vst v63  }
0x8b: {  	s22 =	rddreg [dreg:$0x5];
	s23 =	sadd.s32 $0x80, s20  }
0x8c: {  	[tilespmem:s22], [sflag:$0x1] =	stream.indirect.gather [hbm4b:s3+s7], $0x20, s23, s7, $0xb8;
	[tilespmem:$0x1A400] =	vst v63  }
0x8d: {  	s24 =	rddreg [dreg:$0x6];
	s22 =	sadd.s32 $0x100, s20  }
0x8e: {  	[tilespmem:s24], [sflag:$0x1] =	stream.indirect.gather [hbm4b:s3+s7], $0x20, s22, s7, $0xb8;
	[tilespmem:$0x1A400] =	vst v63  }
0x8f: {  	s25 =	sadd.s32 $0x180, s20;
	s23 =	rddreg [dreg:$0x7]  }
0x90: {  	[tilespmem:s23], [sflag:$0x1] =	stream.indirect.gather [hbm4b:s3+s7], $0x20, s25, s7, $0xb8;
	[tilespmem:$0x1A400] =	vst v63  }
0x91: {  	s26 =	rddreg [dreg:$0x8];
	s28 =	sadd.s32 $0x200, s20  }
0x92: {  	[tilespmem:s26], [sflag:$0x1] =	stream.indirect.gather [hbm4b:s3+s7], $0x20, s28, s7, $0xb8;
	[tilespmem:$0x1A400] =	vst v63  }
0x93: {  	s29 =	rddreg [dreg:$0x9];
	s30 =	sadd.s32 $0x280, s20  }
0x94: {  	[tilespmem:s29], [sflag:$0x1] =	stream.indirect.gather [hbm4b:s3+s7], $0x20, s30, s7, $0xb8;
	[tilespmem:$0x1A400] =	vst v63  }
0x95: {  	s31 =	rddreg [dreg:$0xa];
	s24 =	sadd.s32 $0x300, s20  }
0x96: {  	[tilespmem:s31], [sflag:$0x1] =	stream.indirect.gather [hbm4b:s3+s7], $0x20, s24, s7, $0xb8;
	[tilespmem:$0x1A400] =	vst v63  }
0x97: {  	s25 =	rddreg [dreg:$0xb];
	s26 =	sadd.s32 $0x380, s20  }
0x98: {  	[tilespmem:s25], [sflag:$0x1] =	stream.indirect.gather [hbm4b:s3+s7], $0x20, s26, s7, $0xb8;
	[tilespmem:$0x1A400] =	vst v63  }
0x99: {  	s28 =	rddreg [dreg:$0xc];
	s29 =	sadd.s32 $0x400, s20  }
0x9a: {  	[tilespmem:s28], [sflag:$0x1] =	stream.indirect.gather [hbm4b:s3+s7], $0x20, s29, s7, $0xb8;
	[tilespmem:$0x1A400] =	vst v63  }
0x9b: {  	s30 =	rddreg [dreg:$0xd];
	s31 =	sadd.s32 $0x480, s20  }
0x9c: {  	[tilespmem:s30], [sflag:$0x1] =	stream.indirect.gather [hbm4b:s3+s7], $0x20, s31, s7, $0xb8;
	[tilespmem:$0x1A400] =	vst v63  }
0x9d: {  	s23 =	sadd.s32 $0x500, s20  }
0x9e: {  	[tilespmem:s9], [sflag:$0x1] =	stream.indirect.gather [hbm4b:s3+s7], $0x20, s23, s7, $0xb8;
	[tilespmem:$0x1A400] =	vst v63  }
0x9f: {  	s24 =	rddreg [dreg:$0xe];
	s25 =	sadd.s32 $0x580, s20  }
0xa0: {  	[tilespmem:s24], [sflag:$0x1] =	stream.indirect.gather [hbm4b:s3+s7], $0x20, s25, s7, $0xb8;
	[tilespmem:$0x1A400] =	vst v63  }
0xa1: {  	s26 =	rddreg [dreg:$0xf];
	s28 =	sadd.s32 $0x600, s20  }
0xa2: {  	[tilespmem:s26], [sflag:$0x1] =	stream.indirect.gather [hbm4b:s3+s7], $0x20, s28, s7, $0xb8;
	[tilespmem:$0x1A400] =	vst v63  }
0xa3: {  	s29 =	rddreg [dreg:$0x10];
	s30 =	sadd.s32 $0x680, s20  }
0xa4: {  	[tilespmem:s29], [sflag:$0x1] =	stream.indirect.gather [hbm4b:s3+s7], $0x20, s30, s7, $0xb8;
	[tilespmem:$0x1A400] =	vst v63  }
0xa5: {  	s22 =	sadd.s32 $0x700, s20;
	s31 =	rddreg [dreg:$0x11]  }
0xa6: {  	[tilespmem:s31], [sflag:$0x1] =	stream.indirect.gather [hbm4b:s3+s7], $0x20, s22, s7, $0xb8;
	[tilespmem:$0x1A400] =	vst v63  }
0xa7: {  	s24 =	rddreg [dreg:$0x12];
	s25 =	sadd.s32 $0x780, s20  }
0xa8: {  	[tilespmem:s24], [sflag:$0x1] =	stream.indirect.gather [hbm4b:s3+s7], $0x20, s25, s7, $0xb8;
	[tilespmem:$0x1A400] =	vst v63  }
0xa9: {  	s26 =	sadd.s32 $0x800, s20  }
0xaa: {  	[tilespmem:s10], [sflag:$0x1] =	stream.indirect.gather [hbm4b:s3+s7], $0x20, s26, s7, $0xb8;
	[tilespmem:$0x1A400] =	vst v63  }
0xab: {  	s28 =	sadd.s32 $0x880, s20  }
0xac: {  	[tilespmem:s11], [sflag:$0x1] =	stream.indirect.gather [hbm4b:s3+s7], $0x20, s28, s7, $0xb8;
	[tilespmem:$0x1A400] =	vst v63  }
0xad: {  	s29 =	sadd.s32 $0x900, s20  }
0xae: {  	[tilespmem:s12], [sflag:$0x1] =	stream.indirect.gather [hbm4b:s3+s7], $0x20, s29, s7, $0xb8;
	[tilespmem:$0x1A400] =	vst v63  }
0xaf: {  	s20 =	sadd.s32 $0x980, s20  }
0xb0: {  	[tilespmem:s13], [sflag:$0x1] =	stream.indirect.gather [hbm4b:s3+s7], $0x20, s20, s7, $0xb8;
	[tilespmem:$0x1A400] =	vst v63  }
0xb1: {  	_ =	swait.ge [sflag:s14], $0x1000  }
0xb2: {  	[sflag:s14] =	ssyncset.done $0x0  }
0xb3: {  	[sflag:s14] =	ssyncadd.s32 $0xFFFFF000  }
0xb4: {  	_ =	swait.ge [sflag:s14], $0x1000  }
0xb5: {  	[sflag:s14] =	ssyncset.done $0x0  }
0xb6: {  	[sflag:s14] =	ssyncadd.s32 $0xFFFFF000  }
0xb7: {  	_ =	swait.ge [sflag:s14], $0x1000  }
0xb8: {  	[sflag:s14] =	ssyncset.done $0x0  }
0xb9: {  	[sflag:s14] =	ssyncadd.s32 $0xFFFFF000  }
0xba: {  	_ =	swait.ge [sflag:s14], $0x1000  }
0xbb: {  	[sflag:s14] =	ssyncset.done $0x0  }
0xbc: {  	[sflag:s14] =	ssyncadd.s32 $0xFFFFF000  }
0xbd: {  	_ =	swait.ge [sflag:s14], $0x1000  }
0xbe: {  	[sflag:s14] =	ssyncset.done $0x0  }
0xbf: {  	[sflag:s14] =	ssyncadd.s32 $0xFFFFF000  }
0xc0: {  	_ =	swait.ge [sflag:s14], $0x1000  }
0xc1: {  	[sflag:s14] =	ssyncset.done $0x0  }
0xc2: {  	[sflag:s14] =	ssyncadd.s32 $0xFFFFF000  }
0xc3: {  	_ =	swait.ge [sflag:s14], $0x1000  }
0xc4: {  	[sflag:s14] =	ssyncset.done $0x0  }
0xc5: {  	[sflag:s14] =	ssyncadd.s32 $0xFFFFF000  }
0xc6: {  	_ =	swait.ge [sflag:s14], $0x1000  }
0xc7: {  	[sflag:s14] =	ssyncset.done $0x0  }
0xc8: {  	[sflag:s14] =	ssyncadd.s32 $0xFFFFF000  }
0xc9: {  	_ =	swait.ge [sflag:s14], $0x1000  }
0xca: {  	[sflag:s14] =	ssyncset.done $0x0  }
0xcb: {  	[sflag:s14] =	ssyncadd.s32 $0xFFFFF000  }
0xcc: {  	_ =	swait.ge [sflag:s14], $0x1000  }
0xcd: {  	s30 =	rddreg [dreg:$0x3];
	[sflag:s14] =	ssyncset.done $0x0  }
0xce: {  	[sflag:s14] =	ssyncadd.s32 $0xFFFFF000;
	s20 =	sadd.s32 s17, s30  }
0xcf: {  	[hbm4b:s20+s2] =	stream.linear.scatter [tilespmem:s8], [sflag:$0x2], $0xA000, $0x38;
	[tilespmem:$0x1A400] =	vst v63  }
0xd0: {  	_ =	swait.ge [sflag:s14], $0x1000  }
0xd1: {  	[sflag:s14] =	ssyncset.done $0x0  }
0xd2: {  	[sflag:s14] =	ssyncadd.s32 $0xFFFFF000  }
0xd3: {  	_ =	swait.ge [sflag:s14], $0x1000  }
0xd4: {  	[sflag:s14] =	ssyncset.done $0x0  }
0xd5: {  	[sflag:s14] =	ssyncadd.s32 $0xFFFFF000  }
0xd6: {  	_ =	swait.ge [sflag:s14], $0x1000  }
0xd7: {  	[sflag:s14] =	ssyncset.done $0x0  }
0xd8: {  	[sflag:s14] =	ssyncadd.s32 $0xFFFFF000  }
0xd9: {  	_ =	swait.ge [sflag:s14], $0x1000  }
0xda: {  	[sflag:s14] =	ssyncset.done $0x0  }
0xdb: {  	[sflag:s14] =	ssyncadd.s32 $0xFFFFF000  }
0xdc: {  	_ =	swait.ge [sflag:s14], $0x1000  }
0xdd: {  	[sflag:s14] =	ssyncset.done $0x0  }
0xde: {  	[sflag:s14] =	ssyncadd.s32 $0xFFFFF000  }
0xdf: {  	_ =	swait.ge [sflag:s14], $0x1000  }
0xe0: {  	[sflag:s14] =	ssyncset.done $0x0  }
0xe1: {  	[sflag:s14] =	ssyncadd.s32 $0xFFFFF000  }
0xe2: {  	_ =	swait.ge [sflag:s14], $0x1000  }
0xe3: {  	[sflag:s14] =	ssyncset.done $0x0  }
0xe4: {  	[sflag:s14] =	ssyncadd.s32 $0xFFFFF000  }
0xe5: {  	_ =	swait.ge [sflag:s14], $0x1000  }
0xe6: {  	[sflag:s14] =	ssyncset.done $0x0  }
0xe7: {  	[sflag:s14] =	ssyncadd.s32 $0xFFFFF000  }
0xe8: {  	_ =	swait.ge [sflag:s14], $0x1000  }
0xe9: {  	[sflag:s14] =	ssyncset.done $0x0  }
0xea: {  	[sflag:s14] =	ssyncadd.s32 $0xFFFFF000  }
0xeb: {  	_ =	swait.ge [sflag:s14], $0x1000  }
0xec: {  	s31 =	rddreg [dreg:$0x4];
	[sflag:s14] =	ssyncset.done $0x0  }
0xed: {  	p0 =	sne.s32 s21, $0x16800;
	[sflag:s14] =	ssyncadd.s32 $0xFFFFF000;
	s20 =	sadd.s32 s17, s31  }
0xee: {  	[hbm4b:s20+s2] =	stream.linear.scatter [tilespmem:s9], [sflag:$0x2], $0xA000, $0x38;
	[tilespmem:$0x1A400] =	vst v63  }
.Ltmp0:
0xef: {  	_ =	swait.ge [sflag:s15], $0xA000;
	(pc) =	sbr.rel @p0 .LBB2_2-.Ltmp0, $4  }
0xf0: {  	[sflag:s15] =	ssyncset.done $0x0  }
0xf1: {  	[sflag:s15] =	ssyncadd.s32 $0xFFFF6000  }
0xf2: {  	s19 =	smov.u32 s21;
	s18 =	sadd.s32 $0x2800, s21;
	_ =	swait.ge [sflag:s15], $0xA000  }
0xf3: {  	s21 =	smov.u32 s18;
	s17 =	smov.u32 s19;
	[sflag:s15] =	ssyncset.done $0x0  }
0xf4: {  	s18 =	sshra.s32 s17, $0x2;
	[sflag:s15] =	ssyncadd.s32 $0xFFFF6000  }
0xf5: {  	[tilespmem:s8], [sflag:$0x1] =	stream.indirect.gather [hbm4b:s3+s7], $0x20, s18, s7, $0xb8;
	[tilespmem:$0x1A400] =	vst v63  }
0xf6: {  	s19 =	rddreg [dreg:$0x5];
	s20 =	sadd.s32 $0x80, s18  }
0xf7: {  	[tilespmem:s19], [sflag:$0x1] =	stream.indirect.gather [hbm4b:s3+s7], $0x20, s20, s7, $0xb8;
	[tilespmem:$0x1A400] =	vst v63  }
0xf8: {  	s21 =	rddreg [dreg:$0x6];
	s28 =	sadd.s32 $0x100, s18  }
0xf9: {  	[tilespmem:s21], [sflag:$0x1] =	stream.indirect.gather [hbm4b:s3+s7], $0x20, s28, s7, $0xb8;
	[tilespmem:$0x1A400] =	vst v63  }
0xfa: {  	s29 =	rddreg [dreg:$0x7];
	s30 =	sadd.s32 $0x180, s18  }
0xfb: {  	[tilespmem:s29], [sflag:$0x1] =	stream.indirect.gather [hbm4b:s3+s7], $0x20, s30, s7, $0xb8;
	[tilespmem:$0x1A400] =	vst v63  }
0xfc: {  	s31 =	rddreg [dreg:$0x8];
	s20 =	sadd.s32 $0x200, s18  }
0xfd: {  	[tilespmem:s31], [sflag:$0x1] =	stream.indirect.gather [hbm4b:s3+s7], $0x20, s20, s7, $0xb8;
	[tilespmem:$0x1A400] =	vst v63  }
0xfe: {  	s22 =	rddreg [dreg:$0x9];
	s23 =	sadd.s32 $0x280, s18  }
0xff: {  	[tilespmem:s22], [sflag:$0x1] =	stream.indirect.gather [hbm4b:s3+s7], $0x20, s23, s7, $0xb8;
	[tilespmem:$0x1A400] =	vst v63  }
0x100: {  	s24 =	rddreg [dreg:$0xa];
	s25 =	sadd.s32 $0x300, s18  }
0x101: {  	[tilespmem:s24], [sflag:$0x1] =	stream.indirect.gather [hbm4b:s3+s7], $0x20, s25, s7, $0xb8;
	[tilespmem:$0x1A400] =	vst v63  }
0x102: {  	s26 =	rddreg [dreg:$0xb];
	s28 =	sadd.s32 $0x380, s18  }
0x103: {  	[tilespmem:s26], [sflag:$0x1] =	stream.indirect.gather [hbm4b:s3+s7], $0x20, s28, s7, $0xb8;
	[tilespmem:$0x1A400] =	vst v63  }
0x104: {  	s29 =	rddreg [dreg:$0xc];
	s30 =	sadd.s32 $0x400, s18  }
0x105: {  	[tilespmem:s29], [sflag:$0x1] =	stream.indirect.gather [hbm4b:s3+s7], $0x20, s30, s7, $0xb8;
	[tilespmem:$0x1A400] =	vst v63  }
0x106: {  	s31 =	rddreg [dreg:$0xd];
	s22 =	sadd.s32 $0x480, s18  }
0x107: {  	[tilespmem:s31], [sflag:$0x1] =	stream.indirect.gather [hbm4b:s3+s7], $0x20, s22, s7, $0xb8;
	[tilespmem:$0x1A400] =	vst v63  }
0x108: {  	s23 =	sadd.s32 $0x500, s18  }
0x109: {  	[tilespmem:s9], [sflag:$0x1] =	stream.indirect.gather [hbm4b:s3+s7], $0x20, s23, s7, $0xb8;
	[tilespmem:$0x1A400] =	vst v63  }
0x10a: {  	s24 =	rddreg [dreg:$0xe];
	s25 =	sadd.s32 $0x580, s18  }
0x10b: {  	[tilespmem:s24], [sflag:$0x1] =	stream.indirect.gather [hbm4b:s3+s7], $0x20, s25, s7, $0xb8;
	[tilespmem:$0x1A400] =	vst v63  }
0x10c: {  	s26 =	rddreg [dreg:$0xf];
	s28 =	sadd.s32 $0x600, s18  }
0x10d: {  	[tilespmem:s26], [sflag:$0x1] =	stream.indirect.gather [hbm4b:s3+s7], $0x20, s28, s7, $0xb8;
	[tilespmem:$0x1A400] =	vst v63  }
0x10e: {  	s29 =	rddreg [dreg:$0x10];
	s30 =	sadd.s32 $0x680, s18  }
0x10f: {  	[tilespmem:s29], [sflag:$0x1] =	stream.indirect.gather [hbm4b:s3+s7], $0x20, s30, s7, $0xb8;
	[tilespmem:$0x1A400] =	vst v63  }
0x110: {  	s31 =	rddreg [dreg:$0x11];
	s22 =	sadd.s32 $0x700, s18  }
0x111: {  	[tilespmem:s31], [sflag:$0x1] =	stream.indirect.gather [hbm4b:s3+s7], $0x20, s22, s7, $0xb8;
	[tilespmem:$0x1A400] =	vst v63  }
0x112: {  	s23 =	rddreg [dreg:$0x12];
	s24 =	sadd.s32 $0x780, s18  }
0x113: {  	[tilespmem:s23], [sflag:$0x1] =	stream.indirect.gather [hbm4b:s3+s7], $0x20, s24, s7, $0xb8;
	[tilespmem:$0x1A400] =	vst v63  }
0x114: {  	s25 =	sadd.s32 $0x800, s18  }
0x115: {  	[tilespmem:s10], [sflag:$0x1] =	stream.indirect.gather [hbm4b:s3+s7], $0x20, s25, s7, $0xb8;
	[tilespmem:$0x1A400] =	vst v63  }
0x116: {  	s26 =	sadd.s32 $0x880, s18  }
0x117: {  	[tilespmem:s11], [sflag:$0x1] =	stream.indirect.gather [hbm4b:s3+s7], $0x20, s26, s7, $0xb8;
	[tilespmem:$0x1A400] =	vst v63  }
0x118: {  	s28 =	sadd.s32 $0x900, s18  }
0x119: {  	[tilespmem:s12], [sflag:$0x1] =	stream.indirect.gather [hbm4b:s3+s7], $0x20, s28, s7, $0xb8;
	[tilespmem:$0x1A400] =	vst v63  }
0x11a: {  	s18 =	sadd.s32 $0x980, s18  }
0x11b: {  	[tilespmem:s13], [sflag:$0x1] =	stream.indirect.gather [hbm4b:s3+s7], $0x20, s18, s7, $0xb8;
	[tilespmem:$0x1A400] =	vst v63  }
0x11c: {  	_ =	swait.ge [sflag:s14], $0x1000  }
0x11d: {  	[sflag:s14] =	ssyncset.done $0x0  }
0x11e: {  	[sflag:s14] =	ssyncadd.s32 $0xFFFFF000  }
0x11f: {  	_ =	swait.ge [sflag:s14], $0x1000  }
0x120: {  	[sflag:s14] =	ssyncset.done $0x0  }
0x121: {  	[sflag:s14] =	ssyncadd.s32 $0xFFFFF000  }
0x122: {  	_ =	swait.ge [sflag:s14], $0x1000  }
0x123: {  	[sflag:s14] =	ssyncset.done $0x0  }
0x124: {  	[sflag:s14] =	ssyncadd.s32 $0xFFFFF000  }
0x125: {  	_ =	swait.ge [sflag:s14], $0x1000  }
0x126: {  	[sflag:s14] =	ssyncset.done $0x0  }
0x127: {  	[sflag:s14] =	ssyncadd.s32 $0xFFFFF000  }
0x128: {  	_ =	swait.ge [sflag:s14], $0x1000  }
0x129: {  	[sflag:s14] =	ssyncset.done $0x0  }
0x12a: {  	[sflag:s14] =	ssyncadd.s32 $0xFFFFF000  }
0x12b: {  	_ =	swait.ge [sflag:s14], $0x1000  }
0x12c: {  	[sflag:s14] =	ssyncset.done $0x0  }
0x12d: {  	[sflag:s14] =	ssyncadd.s32 $0xFFFFF000  }
0x12e: {  	_ =	swait.ge [sflag:s14], $0x1000  }
0x12f: {  	[sflag:s14] =	ssyncset.done $0x0  }
0x130: {  	[sflag:s14] =	ssyncadd.s32 $0xFFFFF000  }
0x131: {  	_ =	swait.ge [sflag:s14], $0x1000  }
0x132: {  	[sflag:s14] =	ssyncset.done $0x0  }
0x133: {  	[sflag:s14] =	ssyncadd.s32 $0xFFFFF000  }
0x134: {  	_ =	swait.ge [sflag:s14], $0x1000  }
0x135: {  	[sflag:s14] =	ssyncset.done $0x0  }
0x136: {  	[sflag:s14] =	ssyncadd.s32 $0xFFFFF000  }
0x137: {  	_ =	swait.ge [sflag:s14], $0x1000  }
0x138: {  	s29 =	rddreg [dreg:$0x3];
	[sflag:s14] =	ssyncset.done $0x0  }
0x139: {  	[sflag:s14] =	ssyncadd.s32 $0xFFFFF000;
	s18 =	sadd.s32 s17, s29  }
0x13a: {  	[hbm4b:s18+s2] =	stream.linear.scatter [tilespmem:s8], [sflag:$0x2], $0xA000, $0x38;
	[tilespmem:$0x1A400] =	vst v63  }
0x13b: {  	_ =	swait.ge [sflag:s14], $0x1000  }
0x13c: {  	[sflag:s14] =	ssyncset.done $0x0  }
0x13d: {  	[sflag:s14] =	ssyncadd.s32 $0xFFFFF000  }
0x13e: {  	_ =	swait.ge [sflag:s14], $0x1000  }
0x13f: {  	[sflag:s14] =	ssyncset.done $0x0  }
0x140: {  	[sflag:s14] =	ssyncadd.s32 $0xFFFFF000  }
0x141: {  	_ =	swait.ge [sflag:s14], $0x1000  }
0x142: {  	[sflag:s14] =	ssyncset.done $0x0  }
0x143: {  	[sflag:s14] =	ssyncadd.s32 $0xFFFFF000  }
0x144: {  	_ =	swait.ge [sflag:s14], $0x1000  }
0x145: {  	[sflag:s14] =	ssyncset.done $0x0  }
0x146: {  	[sflag:s14] =	ssyncadd.s32 $0xFFFFF000  }
0x147: {  	_ =	swait.ge [sflag:s14], $0x1000  }
0x148: {  	[sflag:s14] =	ssyncset.done $0x0  }
0x149: {  	[sflag:s14] =	ssyncadd.s32 $0xFFFFF000  }
0x14a: {  	_ =	swait.ge [sflag:s14], $0x1000  }
0x14b: {  	[sflag:s14] =	ssyncset.done $0x0  }
0x14c: {  	[sflag:s14] =	ssyncadd.s32 $0xFFFFF000  }
0x14d: {  	_ =	swait.ge [sflag:s14], $0x1000  }
0x14e: {  	[sflag:s14] =	ssyncset.done $0x0  }
0x14f: {  	[sflag:s14] =	ssyncadd.s32 $0xFFFFF000  }
0x150: {  	_ =	swait.ge [sflag:s14], $0x1000  }
0x151: {  	[sflag:s14] =	ssyncset.done $0x0  }
0x152: {  	[sflag:s14] =	ssyncadd.s32 $0xFFFFF000  }
0x153: {  	_ =	swait.ge [sflag:s14], $0x1000  }
0x154: {  	[sflag:s14] =	ssyncset.done $0x0  }
0x155: {  	[sflag:s14] =	ssyncadd.s32 $0xFFFFF000  }
0x156: {  	_ =	swait.ge [sflag:s14], $0x1000  }
0x157: {  	s30 =	rddreg [dreg:$0x4];
	[sflag:s14] =	ssyncset.done $0x0  }
0x158: {  	s16 =	sadd.s32 $0x1, s16;
	[sflag:s14] =	ssyncadd.s32 $0xFFFFF000;
	s31 =	sadd.s32 s17, s30  }
0x159: {  	[hbm4b:s31+s2] =	stream.linear.scatter [tilespmem:s9], [sflag:$0x2], $0xA000, $0x38;
	[tilespmem:$0x1A400] =	vst v63  }
0x15a: {  	p0 =	sne.s32 s16, s5;
	_ =	swait.ge [sflag:s15], $0xA000  }
.Ltmp1:
0x15b: {  	[sflag:s15] =	ssyncset.done $0x0;
	(pc) =	sbr.rel @p0 .LBB2_1-.Ltmp1, $4  }
0x15c: {  	[sflag:s15] =	ssyncadd.s32 $0xFFFF6000  }
0x15d: {  	_ =	swait.ge [sflag:s15], $0xA000  }
0x15e: {  	[sflag:s15] =	ssyncset.done $0x0  }
0x15f: {  	[sflag:s15] =	ssyncadd.s32 $0xFFFF6000  }
0x160: {  	_ =	sfence.sel $0x180000  }
0x161: {  	[bflag:$0x0] =	sbarrier.arrive $0xFFFF  }
0x162: {  	p0 =	sne.s32 s0, $0x0;
	_ =	strace $0x90000047  }
0x163: {  	s0 =	sadd.s32 @!p0 $0x100000, s1;
	[bflag:$0x2] =	sbarrier.arrive $0xFFFF  }
0x164: {  	[sflag:s0] =	ssyncadd.tile.s32 @!p0 $0x1;
	_ =	shalt  }
.Lfunc_end2:
_tile_overlayer_lowered:
.L_overlay_start_2:
0x165: {  	(tag) =	ssettag $0x2  }
0x166: {  	s0 =	rddreg [dreg:$0x0];
	s2 =	stileid.u32  }
0x167: {  	s1 =	rddreg [dreg:$0x1];
	p0 =	sne.s32 s2, $0x0  }
0x168: {  	s3 =	rddreg [dreg:$0x2];
	[bflag:$0x3] =	sbarrier.arrive $0xFFFF;
	s2 =	simm.s32 @!p0 $0x1C03  }
0x169: {  	[timem:s3], [sflag:s2] =	dma.local @!p0 [hbm:s0], s1  }
0x16a: {  	s0 =	simm.s32 @!p0 $0x3  }
0x16b: {  	_ =	swait.ge @!p0 [sflag:s0], s1  }
0x16c: {  	s1 =	ssub.s32 @!p0 $0x0, s1;
	[sflag:s0] =	ssyncset.done @!p0 $0x0  }
0x16d: {  	[sflag:s0] =	ssyncadd.s32 @!p0 s1  }
0x16e: {  	[bflag:$0x3] =	sbarrier.arrive $0xFFFF  }
0x16f: {  	_ =	shalt  }

// kernel: sparse-core-data-format-call.cloned.1.call-start
scs
called_computation_lowered:
.L_overlay_start_0:
0x0: {  	s1 =	sld [smem:$0x3FD9]  }
0x1: {  	s2 =	sld [smem:$0x3FFE];
	_ =	sdelay $0x1  }
0x2: {  	s3 =	srdreg.scid  }
0x3: {  	s0 =	sand.u32 $0x1, s3  }
0x4: {  	s17 =	sshll.u32 s0, $0xA;
	s1 =	sadd.s32 s2, s1  }
0x5: {  	s1 =	sadd.s32 s1, s17  }
0x6: {  	[smem:$0x3FC6] =	sst s1  }
0x7: {  	_ = 	snop  }
0x8: {  	(tm) =	ssettm $0x1  }
0x9: {  	s18 =	sld [smem:$0x3FFB];
	_ =	sdelay $0x3  }
0xa: {  	_ =	strace s18  }
0xb: {  	s1 =	sld [smem:$0x3FFC];
	_ =	sdelay $0x3  }
0xc: {  	_ =	strace s1  }
0xd: {  	s1 =	sld [smem:$0x3FFD];
	_ =	sdelay $0x3  }
0xe: {  	_ =	strace s1  }
0xf: {  	_ =	strace $0x8FFFFFFF  }
0x10: {  	s19 =	sld [smem:$0x3FDB];
	_ =	sdelay $0x1  }
0x11: {  	s20 =	simm.s32 $_scs_section_size  }
0x12: {  	s4 =	simm.s32 $_size__tile_overlayer_lowered;
	s5 =	simm.s32 $_tile_overlayer_lowered  }
0x13: {  	s23 =	simm.s32 $0x1BFF;
	s22 =	sshll.u32 s5, $0x1;
	s1 =	sadd.s32 s20, s19  }
0x14: {  	s6 =	simm.s32 $0x0;
	s21 =	sshll.u32 s4, $0x1;
	s4 =	sadd.s32 s22, s1  }
0x15: {  	[timem:s6], [sflag:s23] =	dma.local [hbm:s4], s21  }
0x16: {  	_ =	swait.ge [sflag:s23], s21  }
0x17: {  	s2 =	ssub.s32 $0x0, s21;
	[sflag:s23] =	ssyncset.done $0x0  }
0x18: {  	[sflag:s23] =	ssyncadd.s32 s2;
	_ =	sdelay $0x1  }
0x19: {  	s24 =	simm.s32 $0x1B8B  }
0x1a: {  	_ =	swait.ge [sflag:s24], $0x1  }
0x1b: {  	[sflag:s24] =	ssyncset.done $0x0  }
0x1c: {  	s26 =	simm.s32 $0x1B8E;
	s25 =	sld [smem:$0x3FFE];
	[sflag:s24] =	ssyncadd.s32 $0xFFFFFFFF  }
0x1d: {  	s27 =	simm.s32 $execute0_lowered;
	[smem:$0x3FD2] =	sst s26  }
0x1e: {  	s4 =	sshll.u32 s27, $0x1;
	_ =	strace $0x80000049;
	[dreg:$0x1] =	wrdreg $0xFFFFFFFF  }
0x1f: {  	s28 =	simm.s32 $_size_execute0_lowered;
	s1 =	sadd.s32 s1, s4;
	[dreg:$0x0] =	wrdreg $0x0  }
0x20: {  	s4 =	sshll.u32 s28, $0x1;
	[dreg:$0x2] =	wrdreg s1  }
0x21: {  	[dreg:$0x3] =	wrdreg s4  }
0x22: {  	[dreg:$0x4] =	wrdreg $0xC0  }
0x23: {  	_ =	task [dreg:s6], $0x5FFFF  }
0x24: {  	[dreg:$0x1] =	wrdreg $0xFFFFFFFF  }
0x25: {  	[dreg:$0x0] =	wrdreg $0x60  }
0x26: {  	[dreg:$0x2] =	wrdreg s25  }
0x27: {  	[dreg:$0x3] =	wrdreg $0x9  }
0x28: {  	_ =	task.clear_ibuf [dreg:s6], $0x4FFFF;
	_ =	strace $0x90000049  }
0x29: {  	s29 =	simm.s32 $0x9;
	_ =	strace $0x8000004B  }
0x2a: {  	_ =	swait.ge [sflag:s29], $0x1  }
0x2b: {  	[sflag:s29] =	ssyncadd.s32 $0xFFFFFFFF  }
0x2c: {  	_ =	strace $0x9000004B  }
0x2d: {  	_ =	sfence  }
0x2e: {  	s30 =	sld [smem:$0x0];
	_ =	sdelay $0x2  }
0x2f: {  	s31 =	sshll.u32 s3, $0xD;
	s3 =	sshrl.u32 s3, $0x2  }
0x30: {  	s2 =	sand.u32 $0x4000, s31;
	s1 =	sadd.s32 s3, s30  }
0x31: {  	s0 =	sor.u32 s2, s0;
	s1 =	sshll.u32 s1, $0x11  }
0x32: {  	s0 =	sor.u32 s1, s0  }
0x33: {  	s0 =	sadd.s32 $0x8F2B, s0  }
0x34: {  	[sflag:s0] =	ssyncadd.remote.s32 $0x1  }
0x35: {  	_ =	sfence.sel $0xFFFF  }
0x36: {  	[dreg:$0x0] =	wrdreg $0xFFFFFFFF;
	(pc) =	sbr.abs _section_cstart, $3  }
0x37: {  	[dreg:$0x1] =	wrdreg $0xFFFFFFFF  }
0x38: {  	_ =	task.clear_ibuf [dreg:s6], $0x2FFFF;
	_ =	strace $0x9FFFFFFF  }
0x39: {  	(tm) =	ssettm $0x7FFFFFFF  }
tec
execute0_lowered:
.L_overlay_start_1:
0x0: {  	(tag) =	ssettag $0x1  }
0x1: {  	s0 =	srdreg.scid  }
0x2: {  	s1 =	sshll.u32 s0, $0x4  }
0x3: {  	s0 =	stileid.u32;
	s1 =	sand.u32 $0x10, s1  }
0x4: {  	s1 =	sor.u32 s0, s1  }
0x5: {  	s6 =	rddreg [dreg:$0x0];
	s7 =	simm.s32 $0x2;
	s2 =	sshll.u32 s1, $0x7  }
0x6: {  	s12 =	simm.s32 $0x0;
	s8 =	simm.s32 $0x8000;
	s1 =	ssub.s32 $0x1000, s2  }
0x7: {  	s13 =	simm.s32 $0x0;
	s9 =	simm.s32 $0x0;
	s3 =	sand.u32 $0xF80, s1  }
0x8: {  	s11 =	simm.s32 $0x0;
	p0 =	sne.s32 s3, $0x0;
	s3 =	simm.s32 $0x1  }
.Ltmp0:
0x9: {  	s4 =	sshrl.u32 s1, $0xC;
	s3 =	simm.s32 @!p0 $0x0;
	(pc) =	sbr.rel .LBB1_1-.Ltmp0, $4  }
0xa: {  	s5 =	sadd.s32 $0xA00, s6;
	s1 =	rddreg [dreg:$0x1];
	s4 =	sadd.s32 s3, s4  }
0xb: {  	_ =	strace $0x8000004A;
	s3 =	simm.s32 $0x1;
	s4 =	smul.u32 $0xC8, s4  }
0xc: {  	s6 =	sadd.s32 $0xC80A00, s6;
	s10 =	smov.u32 s2;
	[sflag:s3] =	ssyncpa.u1 $0x0  }
0xd: {  	p0 =	por $0x0, $0x0;
	[sflag:s7] =	ssyncpa.u1 $0x0;
	s7 =	sor.u32 $0x1, s4  }
.LBB1_4:
0xe: {  	s16 =	sshll.u32 s13, $0x3;
	s17 =	sand.u32 $0x78, s13  }
0xf: {  	s30 =	sand.u32 $0x3E00, s13;
	s12 =	sshll.u32 s12, $0xE;
	s16 =	sand.u32 $0xC00, s16  }
0x10: {  	s31 =	sand.u32 $0x7, s13;
	s16 =	sor.u32 s17, s16;
	s17 =	sadd.s32 s6, s30  }
0x11: {  	s13 =	sshll.u32 s31, $0x12;
	s16 =	sshrl.u32 s16, $0x3;
	s12 =	sadd.s32 s12, s17  }
0x12: {  	[tilespmem:s15+$0x0 ss:$0x81] =	vst.msk $0xffff, v0;
	s13 =	sor.u32 $0x400, s13;
	s12 =	sadd.s32 s16, s12  }
0x13: {  	[hbm4b:s12+s13] =	stream.strided.scatter [tilespmem:s14], [sflag:$0x2], $0x1000, s8, s13, $0x20;
	[tilespmem:$0x4040] =	vst v63  }
.LBB1_5:
0x14: {  	s14 =	sadd.s32 $0x1, s9  }
0x15: {  	s12 =	sadd.s32 $0x1000, s10;
	s16 =	smov.u32 s10;
	p2 =	sgt.s32 s14, $0xC7  }
0x16: {  	s16 =	smov.u32 @p2 s12  }
0x17: {  	s14 =	simm.s32 @p2 $0x0;
	p2 =	sgt.s32 s16, $0xFFF  }
0x18: {  	s16 =	smov.u32 @p2 s2;
	p2 =	sne.s32 s11, s7  }
.Ltmp1:
0x19: {  	p1 =	slt.u32 s11, $0x2;
	(pc) =	sbr.rel @!p2 .LBB1_6-.Ltmp1, $4  }
0x1a: {  	s15 =	simm.s32 @!p1 $0x2  }
0x1b: {  	s13 =	smov.u32 s10;
	p0 =	por !p0, !p0;
	_ =	swait.ge @!p1 [sflag:s15], $0x1000  }
0x1c: {  	s12 =	smov.u32 s9;
	[sflag:s15] =	ssyncset.done @!p1 $0x0;
	s9 =	smov.u32 s14  }
0x1d: {  	s11 =	sadd.s32 $0x1, s11;
	[sflag:s15] =	ssyncadd.s32 @!p1 $0xFFFFF000;
	s10 =	smov.u32 s16  }
.LBB1_1:
0x1e: {  	p1 =	sge.u32 s11, s4  }
0x1f: {  	s14 =	sand.u32 @!p1 $0x1FFFFFF, s9  }
0x20: {  	s15 =	smulhi.u32 @!p1 $0x147AE15, s14;
	_ =	sdelay $0x1  }
0x21: {  	s15 =	smul.u32 @!p1 $0xC8, s15  }
0x22: {  	s16 =	sxor.u32 @!p1 $0xFFFFFFFF, s11;
	s17 =	smul.u32 @!p1 $0xC80, s10  }
0x23: {  	s31 =	sadd.s32 $0xFFFFFFFF, s11;
	s16 =	sshll.u32 @!p1 s16, $0xC;
	s14 =	ssub.s32 @!p1 s14, s15  }
0x24: {  	s15 =	sand.u32 @!p1 $0x1000, s16;
	s16 =	sadd.s32 @!p1 s5, s17;
	s14 =	sshll.u32 @!p1 s14, $0x4  }
0x25: {  	s17 =	simm.s32 @!p1 $0x6400;
	s14 =	sadd.s32 @!p1 s14, s16;
	s16 =	simm.s32 @!p1 $0x20  }
0x26: {  	[tilespmem:s15], [sflag:$0x1] =	stream.strided.gather @!p1 [hbm4b:s14+s16], $0x1000, s17, s16, $0x38;
	[tilespmem:$0x4040] =	vst v63  }
0x27: {  	p1 =	sge.u32 s31, s4  }
.Ltmp2:
0x28: {  	_ = 	snop;
	(pc) =	sbr.rel @p1 .LBB1_5-.Ltmp2, $1  }
0x29: {  	_ =	sdelay $0x3  }
0x2a: {  	s14 =	simm.s32 $0x1  }
0x2b: {  	_ =	swait.ge [sflag:s3], $0x1000;
	s14 =	simm.s32 @!p0 $0x0  }
0x2c: {  	[sflag:s3] =	ssyncset.done $0x0;
	s15 =	sshll.u32 s14, $0xC  }
0x2d: {  	[sflag:s3] =	ssyncadd.s32 $0xFFFFF000;
	s18 =	sor.u32 $0x10, s15  }
0x2e: {  	s14 =	smul.u32 $0x4080, s14;
	v1 =	vld [tilespmem:s18+$0x0]  }
0x2f: {  	s30 =	sand.u32 $0x1, s11;
	v0 =	vld [tilespmem:s18+$0xFFFFFFF0]  }
0x30: {  	s15 =	smul.u32 $0x4080, s30;
	s14 =	sshrl.u32 s14, $0x2  }
0x31: {  	s16 =	sor.u32 $0x2000, s14  }
0x32: {  	s31 =	sshrl.u32 s15, $0x2;
	s15 =	sadd.s32 $0x0, s16  }
0x33: {  	s17 =	simm.s32 $0x4;
	s18 =	sadd.s32 $0x20, s18;
	s14 =	sor.u32 $0x2000, s31;
	[tilespmem:s15+$0x810 ss:$0x81] =	vst.msk $0xffff, v1  }
.LBB1_3:
0x34: {  	v1 =	vld [tilespmem:s18+$0x0];
	p1 =	sne.s32 s17, $0x1FC;
	[tilespmem:s15+$0x0 ss:$0x81] =	vst.msk $0xffff, v0;
	s15 =	smov.u32 s17;
	s17 =	sadd.s32 $0x4, s17  }
.Ltmp3:
0x35: {  	v0 =	vld [tilespmem:s18+$0xFFFFFFF0];
	(pc) =	sbr.rel @p1 .LBB1_3-.Ltmp3, $4  }
0x36: {  	_ = 	snop  }
0x37: {  	s15 =	sshra.s32 s15, $0x2  }
0x38: {  	s15 =	sadd.s32 s15, s16  }
0x39: {  	s18 =	sadd.s32 $0x20, s18;
	[tilespmem:s15+$0x810 ss:$0x81] =	vst.msk $0xffff, v1  }
.Ltmp4:
0x3a: {  	_ = 	snop;
	(pc) =	sbr.rel .LBB1_4-.Ltmp4, $1  }
0x3b: {  	_ =	sdelay $0x3  }
.LBB1_6:
0x3c: {  	_ =	sfence.sel $0x180000  }
0x3d: {  	s2 =	simm.s32 $0x1;
	[bflag:$0x0] =	sbarrier.arrive $0xFFFF  }
0x3e: {  	s31 =	simm.s32 $0x2;
	[sflag:s2] =	ssyncpa.u1 $0x1  }
0x3f: {  	[sflag:s31] =	ssyncpa.u1 $0x1  }
0x40: {  	p0 =	sne.s32 s0, $0x0;
	_ =	strace $0x9000004A  }
0x41: {  	s0 =	sadd.s32 @!p0 $0x100000, s1;
	[bflag:$0x2] =	sbarrier.arrive $0xFFFF  }
0x42: {  	[sflag:s0] =	ssyncadd.tile.s32 @!p0 $0x1;
	_ =	shalt  }
.Lfunc_end1:
_tile_overlayer_lowered:
.L_overlay_start_2:
0x43: {  	(tag) =	ssettag $0x2  }
0x44: {  	s0 =	rddreg [dreg:$0x0];
	s2 =	stileid.u32  }
0x45: {  	s1 =	rddreg [dreg:$0x1];
	p0 =	sne.s32 s2, $0x0  }
0x46: {  	s3 =	rddreg [dreg:$0x2];
	[bflag:$0x3] =	sbarrier.arrive $0xFFFF;
	s2 =	simm.s32 @!p0 $0x1C01  }
0x47: {  	[timem:s3], [sflag:s2] =	dma.local @!p0 [hbm:s0], s1  }
0x48: {  	s0 =	simm.s32 @!p0 $0x1  }
0x49: {  	_ =	swait.ge @!p0 [sflag:s0], s1  }
0x4a: {  	s1 =	ssub.s32 @!p0 $0x0, s1;
	[sflag:s0] =	ssyncset.done @!p0 $0x0  }
0x4b: {  	[sflag:s0] =	ssyncadd.s32 @!p0 s1  }
0x4c: {  	[bflag:$0x3] =	sbarrier.arrive $0xFFFF  }
0x4d: {  	_ =	shalt  }

</sc_bundles>
